<compile_context>
chip_gen: v7x
topology: tpu7x:2x2x1
jax: 0.10.2.dev20260603
libtpu: 0.0.44.dev20260713+nightly
codegen_flags: <defaults>
</compile_context>

<pallas_src>
import functools

import jax
import jax.numpy as jnp
from jax import lax
from jax.experimental import pallas as pl
from jax.experimental.pallas import tpu as pltpu
from jax.experimental.pallas import tpu_sc as plsc

B = 16384
NUM_DIM = 13
N_CAT = 26
VOCAB = 100000
EMB = 16
OUT = 128
TOTAL = NUM_DIM + N_CAT * EMB
HID = TOTAL * 2

NJ = N_CAT * EMB
_NW = 32
_JPW = NJ // _NW
_HALF = B // 2
_L = 16
_UNROLL = 16

_BM = 2048


def _gather_t(tabT, catT):
    mesh = plsc.VectorSubcoreMesh(core_axis_name="core", subcore_axis_name="subcore")

    @functools.partial(
        pl.kernel,
        out_type=jax.ShapeDtypeStruct((NJ, B), jnp.float32),
        mesh=mesh,
        compiler_params=pltpu.CompilerParams(
            use_tc_tiling_on_sc=True, needs_layout_passes=False
        ),
        scratch_types=[
            pltpu.VMEM((VOCAB,), jnp.float32),
            pltpu.VMEM((B,), jnp.int32),
            pltpu.VMEM((_HALF,), jnp.float32),
            pltpu.SemaphoreType.DMA,
            pltpu.SemaphoreType.DMA,
        ],
    )
    def k(t_hbm, i_hbm, o_hbm, row_v, idx_v, outh_v, lsem, wsem):
        wid = lax.axis_index("subcore") * 2 + lax.axis_index("core")

        @pl.loop(0, _JPW)
        def _(jj):
            j = wid * _JPW + jj
            f = j // EMB
            a_idx = pltpu.async_copy(i_hbm.at[f], idx_v, lsem)
            a_row = pltpu.async_copy(t_hbm.at[j], row_v, lsem)
            a_idx.wait()
            a_row.wait()

            for h in range(2):
                if h == 1:
                    pltpu.make_async_copy(
                        outh_v, o_hbm.at[0].at[pl.ds(0, _HALF)], wsem
                    ).wait()
                else:

                    @pl.when(jj > 0)
                    def _():
                        pltpu.make_async_copy(
                            outh_v, o_hbm.at[0].at[pl.ds(0, _HALF)], wsem
                        ).wait()

                @pl.loop(0, _HALF // (_L * _UNROLL))
                def _(kk):
                    base = kk * (_L * _UNROLL)
                    for u in range(_UNROLL):
                        o = base + u * _L
                        idx16 = idx_v[pl.ds(h * _HALF + o, _L)]
                        outh_v[pl.ds(o, _L)] = plsc.load_gather(row_v, [idx16])

                pltpu.async_copy(
                    outh_v, o_hbm.at[j].at[pl.ds(h * _HALF, _HALF)], wsem
                )

        pltpu.make_async_copy(
            outh_v, o_hbm.at[0].at[pl.ds(0, _HALF)], wsem
        ).wait()

    return k(tabT, catT)


def _mlp_body(numT_ref, catT_ref, w1n_ref, w1c_ref, b1_ref, w2_ref, b2_ref, out_ref):
    cdims = (((0,), (0,)), ((), ()))
    h = lax.dot_general(
        catT_ref[...], w1c_ref[...], cdims, preferred_element_type=jnp.float32
    )
    h += lax.dot_general(
        numT_ref[...], w1n_ref[...], cdims, preferred_element_type=jnp.float32
    )
    h = jnp.maximum(h + b1_ref[...], 0.0)
    out_ref[...] = (
        jnp.dot(h, w2_ref[...], preferred_element_type=jnp.float32) + b2_ref[...]
    )


def _mlp(numT, catT, w1n, w1c, b1, w2, b2):
    grid = (B // _BM,)
    return pl.pallas_call(
        _mlp_body,
        grid=grid,
        in_specs=[
            pl.BlockSpec((NUM_DIM, _BM), lambda i: (0, i)),
            pl.BlockSpec((NJ, _BM), lambda i: (0, i)),
            pl.BlockSpec((NUM_DIM, HID), lambda i: (0, 0)),
            pl.BlockSpec((NJ, HID), lambda i: (0, 0)),
            pl.BlockSpec((1, HID), lambda i: (0, 0)),
            pl.BlockSpec((HID, OUT), lambda i: (0, 0)),
            pl.BlockSpec((1, OUT), lambda i: (0, 0)),
        ],
        out_specs=pl.BlockSpec((_BM, OUT), lambda i: (i, 0)),
        out_shape=jax.ShapeDtypeStruct((B, OUT), jnp.float32),
    )(numT, catT, w1n, w1c, b1, w2, b2)


def kernel(numerical_feats, categorical_feats, emb, W1, b1, W2, b2):
    tabT = emb.transpose(0, 2, 1).reshape(NJ, VOCAB)
    catT = categorical_feats.T
    outT = _gather_t(tabT, catT)
    numT = numerical_feats.T
    w1n = W1[:NUM_DIM]
    w1c = W1[NUM_DIM:]
    return _mlp(
        numT,
        outT,
        w1n,
        w1c,
        b1.reshape(1, HID),
        W2,
        b2.reshape(1, OUT),
    )

# --- scband reference (transcript-rebuilt; emitter-appended) ---
"""Pipeline reference for scband-tower-model-4148938408097 (READ-ONLY COPY).

The authoritative reference and input builder live on the scoring server;
editing this copy changes nothing except your own understanding.
"""

import jax, jax.numpy as jnp
import numpy as np

B = 16384
NUM_DIM = 13
N_CAT = 26
VOCAB = 100000
EMB = 16
OUT = 128
TOTAL = NUM_DIM + N_CAT * EMB  # 429
HID = TOTAL * 2  # 858


def setup_inputs(seed: int = 0) -> dict:
    key = jax.random.key(seed)
    ks = jax.random.split(key, 7)
    numerical_feats = jax.random.normal(ks[0], (B, NUM_DIM), dtype=jnp.float32)
    categorical_feats = jax.random.randint(ks[1], (B, N_CAT), 0, VOCAB, dtype=jnp.int32)
    # Learned parameters: stacked embedding tables (all vocabs equal) and MLP weights.
    emb = jax.random.normal(ks[2], (N_CAT, VOCAB, EMB), dtype=jnp.float32) * 0.01
    W1 = jax.random.normal(ks[3], (TOTAL, HID), dtype=jnp.float32) * (1.0 / np.sqrt(TOTAL))
    b1 = jnp.zeros((HID,), dtype=jnp.float32)
    W2 = jax.random.normal(ks[4], (HID, OUT), dtype=jnp.float32) * (1.0 / np.sqrt(HID))
    b2 = jnp.zeros((OUT,), dtype=jnp.float32)
    return {
        "numerical_feats": numerical_feats,
        "categorical_feats": categorical_feats,
        "emb": emb,
        "W1": W1,
        "b1": b1,
        "W2": W2,
        "b2": b2,
    }


def reference(numerical_feats, categorical_feats, emb, W1, b1, W2, b2):
    # Per-field embedding lookup: table i gathered with column i of categorical_feats.
    gathered = jax.vmap(lambda table, idx: jnp.take(table, idx, axis=0), in_axes=(0, 1), out_axes=1)(
        emb, categorical_feats
    )  # [B, N_CAT, EMB]
    cat_flat = gathered.reshape(gathered.shape[0], -1)  # [B, N_CAT*EMB] (concat of per-field embeds)
    all_feats = jnp.concatenate([numerical_feats, cat_flat], axis=1)  # [B, TOTAL]
    h = jax.nn.relu(all_feats @ W1 + b1)
    out = h @ W2 + b2
    return out

if __name__ == "__main__":
    import jax
    _d = setup_inputs()
    print(jax.jit(kernel)(*tuple(_d.values())))

</pallas_src>

<mosaic_0001>
#map = affine_map<(d0, d1) -> (0, 0)>
module attributes {stable_mosaic.version = 14 : i64} {
  func.func @k(%arg0: i32, %arg1: i32, %arg2: memref<416x100000xf32, #tpu.memory_space<hbm>>, %arg3: memref<26x16384xi32, #tpu.memory_space<hbm>>, %arg4: memref<416x16384xf32, #tpu.memory_space<hbm>>, %arg5: memref<100000xf32, #tpu.memory_space<vmem>>, %arg6: memref<16384xi32, #tpu.memory_space<vmem>>, %arg7: memref<8192xf32, #tpu.memory_space<vmem>>, %arg8: memref<!tpu.dma_semaphore, #tpu.memory_space<semaphore_mem>>, %arg9: memref<!tpu.dma_semaphore, #tpu.memory_space<semaphore_mem>>) attributes {dimension_semantics = [#tpu.dimension_semantics<core_parallel>, #tpu.dimension_semantics<subcore_parallel>], iteration_bounds = array<i64: 2, 16>, scalar_prefetch = 0 : i64, scratch_operands = 5 : i64, tpu.core_type = #tpu.core_type<sc_vector_subcore>, window_params = [{transform_indices = #map}, {transform_indices = #map}, {transform_indices = #map}]} {
    %mul3A = arith.constant 2 : i32
    %mul3A_0 = arith.muli %arg1, %mul3A : i32
    %add3A = arith.addi %mul3A_0, %arg0 : i32
    %scan3A = arith.constant 0 : i32
    %scan3A_1 = arith.constant 13 : i32
    %scan3A_2 = arith.addi %scan3A, %scan3A_1 : i32
    %scan3A_3 = arith.constant 1 : i32
    scf.for %scan3A_15 = %scan3A to %scan3A_2 step %scan3A_3  : i32 {
      %mul3A_16 = arith.constant 1 : i32
      %mul3A_17 = arith.muli %scan3A_15, %mul3A_16 : i32
      %add3A_18 = arith.constant 0 : i32
      %add3A_19 = arith.addi %add3A_18, %mul3A_17 : i32
      %mul3A_20 = arith.constant 13 : i32
      %mul3A_21 = arith.muli %add3A, %mul3A_20 : i32
      %add3A_22 = arith.addi %mul3A_21, %add3A_19 : i32
      %jit3A = arith.constant 16 : i32
      %div3A = arith.divsi %add3A_22, %jit3A : i32
      %sign3A = arith.constant 0 : i32
      %sign3A_23 = arith.cmpi sgt, %add3A_22, %sign3A : i32
      %sign3A_24 = arith.extui %sign3A_23 : i1 to i32
      %sign3A_25 = arith.constant 0 : i32
      %sign3A_26 = arith.cmpi slt, %add3A_22, %sign3A_25 : i32
      %sign3A_27 = arith.extui %sign3A_26 : i1 to i32
      %sign3A_28 = arith.subi %sign3A_24, %sign3A_27 : i32
      %sign3A_29 = arith.constant 0 : i32
      %sign3A_30 = arith.cmpi sgt, %jit3A, %sign3A_29 : i32
      %sign3A_31 = arith.extui %sign3A_30 : i1 to i32
      %sign3A_32 = arith.constant 0 : i32
      %sign3A_33 = arith.cmpi slt, %jit3A, %sign3A_32 : i32
      %sign3A_34 = arith.extui %sign3A_33 : i1 to i32
      %sign3A_35 = arith.subi %sign3A_31, %sign3A_34 : i32
      %ne3A = arith.cmpi ne, %sign3A_28, %sign3A_35 : i32
      %rem3A = arith.remsi %add3A_22, %jit3A : i32
      %ne3A_36 = arith.constant 0 : i32
      %ne3A_37 = arith.cmpi ne, %rem3A, %ne3A_36 : i32
      %and3A = arith.andi %ne3A, %ne3A_37 : i1
      %sub3A = arith.constant 1 : i32
      %sub3A_38 = arith.subi %div3A, %sub3A : i32
      %select_n3A = arith.select %and3A, %sub3A_38, %div3A : i32
      %dma_start3A = arith.constant 0 : i32
      %dma_start3A_39 = tpu.memref_slice %arg3[%select_n3A, %dma_start3A] : memref<26x16384xi32, #tpu.memory_space<hbm>> -> memref<1x16384xi32, #tpu.memory_space<hbm>>
      %dma_start3A_40 = tpu.memref_squeeze %dma_start3A_39 : memref<1x16384xi32, #tpu.memory_space<hbm>> -> memref<16384xi32, #tpu.memory_space<hbm>>
      %dma_start3A_41 = arith.constant 0 : i32
      %dma_start3A_42 = tpu.memref_slice %arg3[%select_n3A, %dma_start3A_41] : memref<26x16384xi32, #tpu.memory_space<hbm>> -> memref<1x16384xi32, #tpu.memory_space<hbm>>
      %dma_start3A_43 = tpu.memref_squeeze %dma_start3A_42 : memref<1x16384xi32, #tpu.memory_space<hbm>> -> memref<16384xi32, #tpu.memory_space<hbm>>
      tpu.enqueue_dma source(%dma_start3A_43 : memref<16384xi32, #tpu.memory_space<hbm>>) target(%arg6 : memref<16384xi32, #tpu.memory_space<vmem>>) target_semaphore(%arg8 : memref<!tpu.dma_semaphore, #tpu.memory_space<semaphore_mem>>)
      %dma_start3A_44 = arith.constant 0 : i32
      %dma_start3A_45 = tpu.memref_slice %arg2[%add3A_22, %dma_start3A_44] : memref<416x100000xf32, #tpu.memory_space<hbm>> -> memref<1x100000xf32, #tpu.memory_space<hbm>>
      %dma_start3A_46 = tpu.memref_squeeze %dma_start3A_45 : memref<1x100000xf32, #tpu.memory_space<hbm>> -> memref<100000xf32, #tpu.memory_space<hbm>>
      %dma_start3A_47 = arith.constant 0 : i32
      %dma_start3A_48 = tpu.memref_slice %arg2[%add3A_22, %dma_start3A_47] : memref<416x100000xf32, #tpu.memory_space<hbm>> -> memref<1x100000xf32, #tpu.memory_space<hbm>>
      %dma_start3A_49 = tpu.memref_squeeze %dma_start3A_48 : memref<1x100000xf32, #tpu.memory_space<hbm>> -> memref<100000xf32, #tpu.memory_space<hbm>>
      tpu.enqueue_dma source(%dma_start3A_49 : memref<100000xf32, #tpu.memory_space<hbm>>) target(%arg5 : memref<100000xf32, #tpu.memory_space<vmem>>) target_semaphore(%arg8 : memref<!tpu.dma_semaphore, #tpu.memory_space<semaphore_mem>>)
      %dma_wait3A_50 = arith.constant 0 : i32
      %dma_wait3A_51 = tpu.memref_slice %arg3[%select_n3A, %dma_wait3A_50] : memref<26x16384xi32, #tpu.memory_space<hbm>> -> memref<1x16384xi32, #tpu.memory_space<hbm>>
      %dma_wait3A_52 = tpu.memref_squeeze %dma_wait3A_51 : memref<1x16384xi32, #tpu.memory_space<hbm>> -> memref<16384xi32, #tpu.memory_space<hbm>>
      %dma_wait3A_53 = arith.constant 0 : i32
      %dma_wait3A_54 = tpu.memref_slice %arg3[%select_n3A, %dma_wait3A_53] : memref<26x16384xi32, #tpu.memory_space<hbm>> -> memref<1x16384xi32, #tpu.memory_space<hbm>>
      %dma_wait3A_55 = tpu.memref_squeeze %dma_wait3A_54 : memref<1x16384xi32, #tpu.memory_space<hbm>> -> memref<16384xi32, #tpu.memory_space<hbm>>
      tpu.wait_dma2 semaphore(%arg8 : memref<!tpu.dma_semaphore, #tpu.memory_space<semaphore_mem>>) src(%dma_wait3A_55 : memref<16384xi32, #tpu.memory_space<hbm>>) dst(%arg6 : memref<16384xi32, #tpu.memory_space<vmem>>)
      %dma_wait3A_56 = arith.constant 0 : i32
      %dma_wait3A_57 = tpu.memref_slice %arg2[%add3A_22, %dma_wait3A_56] : memref<416x100000xf32, #tpu.memory_space<hbm>> -> memref<1x100000xf32, #tpu.memory_space<hbm>>
      %dma_wait3A_58 = tpu.memref_squeeze %dma_wait3A_57 : memref<1x100000xf32, #tpu.memory_space<hbm>> -> memref<100000xf32, #tpu.memory_space<hbm>>
      %dma_wait3A_59 = arith.constant 0 : i32
      %dma_wait3A_60 = tpu.memref_slice %arg2[%add3A_22, %dma_wait3A_59] : memref<416x100000xf32, #tpu.memory_space<hbm>> -> memref<1x100000xf32, #tpu.memory_space<hbm>>
      %dma_wait3A_61 = tpu.memref_squeeze %dma_wait3A_60 : memref<1x100000xf32, #tpu.memory_space<hbm>> -> memref<100000xf32, #tpu.memory_space<hbm>>
      tpu.wait_dma2 semaphore(%arg8 : memref<!tpu.dma_semaphore, #tpu.memory_space<semaphore_mem>>) src(%dma_wait3A_61 : memref<100000xf32, #tpu.memory_space<hbm>>) dst(%arg5 : memref<100000xf32, #tpu.memory_space<vmem>>)
      %gt3A = arith.constant 0 : i32
      %gt3A_62 = arith.cmpi sgt, %add3A_19, %gt3A : i32
      %convert_element_type3A = arith.extui %gt3A_62 : i1 to i32
      %cond3A = arith.constant 0 : i32
      %cond3A_63 = arith.cmpi ne, %convert_element_type3A, %cond3A : i32
      scf.if %cond3A_63 {
        %dma_wait3A_105 = arith.constant 0 : i32
        %dma_wait3A_106 = arith.constant 0 : i32
        %dma_wait3A_107 = tpu.memref_slice %arg4[%dma_wait3A_105, %dma_wait3A_106] : memref<416x16384xf32, #tpu.memory_space<hbm>> -> memref<1x16384xf32, #tpu.memory_space<hbm>>
        %dma_wait3A_108 = tpu.memref_squeeze %dma_wait3A_107 : memref<1x16384xf32, #tpu.memory_space<hbm>> -> memref<16384xf32, #tpu.memory_space<hbm>>
        %dma_wait3A_109 = arith.constant 0 : i32
        %dma_wait3A_110 = tpu.memref_slice %dma_wait3A_108[%dma_wait3A_109] : memref<16384xf32, #tpu.memory_space<hbm>> -> memref<8192xf32, #tpu.memory_space<hbm>>
        %dma_wait3A_111 = arith.constant 0 : i32
        %dma_wait3A_112 = tpu.memref_slice %arg4[%dma_wait3A_105, %dma_wait3A_111] : memref<416x16384xf32, #tpu.memory_space<hbm>> -> memref<1x16384xf32, #tpu.memory_space<hbm>>
        %dma_wait3A_113 = tpu.memref_squeeze %dma_wait3A_112 : memref<1x16384xf32, #tpu.memory_space<hbm>> -> memref<16384xf32, #tpu.memory_space<hbm>>
        %dma_wait3A_114 = arith.constant 0 : i32
        %dma_wait3A_115 = tpu.memref_slice %dma_wait3A_113[%dma_wait3A_114] : memref<16384xf32, #tpu.memory_space<hbm>> -> memref<8192xf32, #tpu.memory_space<hbm>>
        tpu.wait_dma2 semaphore(%arg9 : memref<!tpu.dma_semaphore, #tpu.memory_space<semaphore_mem>>) src(%arg7 : memref<8192xf32, #tpu.memory_space<vmem>>) dst(%dma_wait3A_115 : memref<8192xf32, #tpu.memory_space<hbm>>)
      } else {
      }
      %scan3A_64 = arith.constant 0 : i32
      %scan3A_65 = arith.constant 32 : i32
      %scan3A_66 = arith.addi %scan3A_64, %scan3A_65 : i32
      %scan3A_67 = arith.constant 1 : i32
      scf.for %scan3A_105 = %scan3A_64 to %scan3A_66 step %scan3A_67  : i32 {
        %mul3A_106 = arith.constant 1 : i32
        %mul3A_107 = arith.muli %scan3A_105, %mul3A_106 : i32
        %add3A_108 = arith.constant 0 : i32
        %add3A_109 = arith.addi %add3A_108, %mul3A_107 : i32
        %mul3A_110 = arith.constant 256 : i32
        %mul3A_111 = arith.muli %add3A_109, %mul3A_110 : i32
        %add3A_112 = arith.constant 0 : i32
        %add3A_113 = arith.addi %mul3A_111, %add3A_112 : i32
        %add3A_114 = arith.constant 0 : i32
        %add3A_115 = arith.addi %add3A_114, %add3A_113 : i32
        %get3A = arith.index_cast %add3A_115 : i32 to index
        %get3A_116 = tpu.vector_load %arg6[%get3A] {strides = array<i32>} : memref<16384xi32, #tpu.memory_space<vmem>>, vector<16xi32>,
        %gather3A = tpu.vector_load_idx %arg5[%get3A_116] : memref<100000xf32, #tpu.memory_space<vmem>>[vector<16xi32>], vector<16xf32>,
        %swap3A = arith.index_cast %add3A_113 : i32 to index
        %swap3A_117 = tpu.vector_load %arg7[%swap3A] {strides = array<i32>} : memref<8192xf32, #tpu.memory_space<vmem>>, vector<16xf32>,
        tpu.vector_store %arg7[%swap3A], %gather3A {strides = array<i32>} : memref<8192xf32, #tpu.memory_space<vmem>>, vector<16xf32>,
        %add3A_118 = arith.constant 16 : i32
        %add3A_119 = arith.addi %mul3A_111, %add3A_118 : i32
        %add3A_120 = arith.constant 0 : i32
        %add3A_121 = arith.addi %add3A_120, %add3A_119 : i32
        %get3A_122 = arith.index_cast %add3A_121 : i32 to index
        %get3A_123 = tpu.vector_load %arg6[%get3A_122] {strides = array<i32>} : memref<16384xi32, #tpu.memory_space<vmem>>, vector<16xi32>,
        %gather3A_124 = tpu.vector_load_idx %arg5[%get3A_123] : memref<100000xf32, #tpu.memory_space<vmem>>[vector<16xi32>], vector<16xf32>,
        %swap3A_125 = arith.index_cast %add3A_119 : i32 to index
        %swap3A_126 = tpu.vector_load %arg7[%swap3A_125] {strides = array<i32>} : memref<8192xf32, #tpu.memory_space<vmem>>, vector<16xf32>,
        tpu.vector_store %arg7[%swap3A_125], %gather3A_124 {strides = array<i32>} : memref<8192xf32, #tpu.memory_space<vmem>>, vector<16xf32>,
        %add3A_127 = arith.constant 32 : i32
        %add3A_128 = arith.addi %mul3A_111, %add3A_127 : i32
        %add3A_129 = arith.constant 0 : i32
        %add3A_130 = arith.addi %add3A_129, %add3A_128 : i32
        %get3A_131 = arith.index_cast %add3A_130 : i32 to index
        %get3A_132 = tpu.vector_load %arg6[%get3A_131] {strides = array<i32>} : memref<16384xi32, #tpu.memory_space<vmem>>, vector<16xi32>,
        %gather3A_133 = tpu.vector_load_idx %arg5[%get3A_132] : memref<100000xf32, #tpu.memory_space<vmem>>[vector<16xi32>], vector<16xf32>,
        %swap3A_134 = arith.index_cast %add3A_128 : i32 to index
        %swap3A_135 = tpu.vector_load %arg7[%swap3A_134] {strides = array<i32>} : memref<8192xf32, #tpu.memory_space<vmem>>, vector<16xf32>,
        tpu.vector_store %arg7[%swap3A_134], %gather3A_133 {strides = array<i32>} : memref<8192xf32, #tpu.memory_space<vmem>>, vector<16xf32>,
        %add3A_136 = arith.constant 48 : i32
        %add3A_137 = arith.addi %mul3A_111, %add3A_136 : i32
        %add3A_138 = arith.constant 0 : i32
        %add3A_139 = arith.addi %add3A_138, %add3A_137 : i32
        %get3A_140 = arith.index_cast %add3A_139 : i32 to index
        %get3A_141 = tpu.vector_load %arg6[%get3A_140] {strides = array<i32>} : memref<16384xi32, #tpu.memory_space<vmem>>, vector<16xi32>,
        %gather3A_142 = tpu.vector_load_idx %arg5[%get3A_141] : memref<100000xf32, #tpu.memory_space<vmem>>[vector<16xi32>], vector<16xf32>,
        %swap3A_143 = arith.index_cast %add3A_137 : i32 to index
        %swap3A_144 = tpu.vector_load %arg7[%swap3A_143] {strides = array<i32>} : memref<8192xf32, #tpu.memory_space<vmem>>, vector<16xf32>,
        tpu.vector_store %arg7[%swap3A_143], %gather3A_142 {strides = array<i32>} : memref<8192xf32, #tpu.memory_space<vmem>>, vector<16xf32>,
        %add3A_145 = arith.constant 64 : i32
        %add3A_146 = arith.addi %mul3A_111, %add3A_145 : i32
        %add3A_147 = arith.constant 0 : i32
        %add3A_148 = arith.addi %add3A_147, %add3A_146 : i32
        %get3A_149 = arith.index_cast %add3A_148 : i32 to index
        %get3A_150 = tpu.vector_load %arg6[%get3A_149] {strides = array<i32>} : memref<16384xi32, #tpu.memory_space<vmem>>, vector<16xi32>,
        %gather3A_151 = tpu.vector_load_idx %arg5[%get3A_150] : memref<100000xf32, #tpu.memory_space<vmem>>[vector<16xi32>], vector<16xf32>,
        %swap3A_152 = arith.index_cast %add3A_146 : i32 to index
        %swap3A_153 = tpu.vector_load %arg7[%swap3A_152] {strides = array<i32>} : memref<8192xf32, #tpu.memory_space<vmem>>, vector<16xf32>,
        tpu.vector_store %arg7[%swap3A_152], %gather3A_151 {strides = array<i32>} : memref<8192xf32, #tpu.memory_space<vmem>>, vector<16xf32>,
        %add3A_154 = arith.constant 80 : i32
        %add3A_155 = arith.addi %mul3A_111, %add3A_154 : i32
        %add3A_156 = arith.constant 0 : i32
        %add3A_157 = arith.addi %add3A_156, %add3A_155 : i32
        %get3A_158 = arith.index_cast %add3A_157 : i32 to index
        %get3A_159 = tpu.vector_load %arg6[%get3A_158] {strides = array<i32>} : memref<16384xi32, #tpu.memory_space<vmem>>, vector<16xi32>,
        %gather3A_160 = tpu.vector_load_idx %arg5[%get3A_159] : memref<100000xf32, #tpu.memory_space<vmem>>[vector<16xi32>], vector<16xf32>,
        %swap3A_161 = arith.index_cast %add3A_155 : i32 to index
        %swap3A_162 = tpu.vector_load %arg7[%swap3A_161] {strides = array<i32>} : memref<8192xf32, #tpu.memory_space<vmem>>, vector<16xf32>,
        tpu.vector_store %arg7[%swap3A_161], %gather3A_160 {strides = array<i32>} : memref<8192xf32, #tpu.memory_space<vmem>>, vector<16xf32>,
        %add3A_163 = arith.constant 96 : i32
        %add3A_164 = arith.addi %mul3A_111, %add3A_163 : i32
        %add3A_165 = arith.constant 0 : i32
        %add3A_166 = arith.addi %add3A_165, %add3A_164 : i32
        %get3A_167 = arith.index_cast %add3A_166 : i32 to index
        %get3A_168 = tpu.vector_load %arg6[%get3A_167] {strides = array<i32>} : memref<16384xi32, #tpu.memory_space<vmem>>, vector<16xi32>,
        %gather3A_169 = tpu.vector_load_idx %arg5[%get3A_168] : memref<100000xf32, #tpu.memory_space<vmem>>[vector<16xi32>], vector<16xf32>,
        %swap3A_170 = arith.index_cast %add3A_164 : i32 to index
        %swap3A_171 = tpu.vector_load %arg7[%swap3A_170] {strides = array<i32>} : memref<8192xf32, #tpu.memory_space<vmem>>, vector<16xf32>,
        tpu.vector_store %arg7[%swap3A_170], %gather3A_169 {strides = array<i32>} : memref<8192xf32, #tpu.memory_space<vmem>>, vector<16xf32>,
        %add3A_172 = arith.constant 112 : i32
        %add3A_173 = arith.addi %mul3A_111, %add3A_172 : i32
        %add3A_174 = arith.constant 0 : i32
        %add3A_175 = arith.addi %add3A_174, %add3A_173 : i32
        %get3A_176 = arith.index_cast %add3A_175 : i32 to index
        %get3A_177 = tpu.vector_load %arg6[%get3A_176] {strides = array<i32>} : memref<16384xi32, #tpu.memory_space<vmem>>, vector<16xi32>,
        %gather3A_178 = tpu.vector_load_idx %arg5[%get3A_177] : memref<100000xf32, #tpu.memory_space<vmem>>[vector<16xi32>], vector<16xf32>,
        %swap3A_179 = arith.index_cast %add3A_173 : i32 to index
        %swap3A_180 = tpu.vector_load %arg7[%swap3A_179] {strides = array<i32>} : memref<8192xf32, #tpu.memory_space<vmem>>, vector<16xf32>,
        tpu.vector_store %arg7[%swap3A_179], %gather3A_178 {strides = array<i32>} : memref<8192xf32, #tpu.memory_space<vmem>>, vector<16xf32>,
        %add3A_181 = arith.constant 128 : i32
        %add3A_182 = arith.addi %mul3A_111, %add3A_181 : i32
        %add3A_183 = arith.constant 0 : i32
        %add3A_184 = arith.addi %add3A_183, %add3A_182 : i32
        %get3A_185 = arith.index_cast %add3A_184 : i32 to index
        %get3A_186 = tpu.vector_load %arg6[%get3A_185] {strides = array<i32>} : memref<16384xi32, #tpu.memory_space<vmem>>, vector<16xi32>,
        %gather3A_187 = tpu.vector_load_idx %arg5[%get3A_186] : memref<100000xf32, #tpu.memory_space<vmem>>[vector<16xi32>], vector<16xf32>,
        %swap3A_188 = arith.index_cast %add3A_182 : i32 to index
        %swap3A_189 = tpu.vector_load %arg7[%swap3A_188] {strides = array<i32>} : memref<8192xf32, #tpu.memory_space<vmem>>, vector<16xf32>,
        tpu.vector_store %arg7[%swap3A_188], %gather3A_187 {strides = array<i32>} : memref<8192xf32, #tpu.memory_space<vmem>>, vector<16xf32>,
        %add3A_190 = arith.constant 144 : i32
        %add3A_191 = arith.addi %mul3A_111, %add3A_190 : i32
        %add3A_192 = arith.constant 0 : i32
        %add3A_193 = arith.addi %add3A_192, %add3A_191 : i32
        %get3A_194 = arith.index_cast %add3A_193 : i32 to index
        %get3A_195 = tpu.vector_load %arg6[%get3A_194] {strides = array<i32>} : memref<16384xi32, #tpu.memory_space<vmem>>, vector<16xi32>,
        %gather3A_196 = tpu.vector_load_idx %arg5[%get3A_195] : memref<100000xf32, #tpu.memory_space<vmem>>[vector<16xi32>], vector<16xf32>,
        %swap3A_197 = arith.index_cast %add3A_191 : i32 to index
        %swap3A_198 = tpu.vector_load %arg7[%swap3A_197] {strides = array<i32>} : memref<8192xf32, #tpu.memory_space<vmem>>, vector<16xf32>,
        tpu.vector_store %arg7[%swap3A_197], %gather3A_196 {strides = array<i32>} : memref<8192xf32, #tpu.memory_space<vmem>>, vector<16xf32>,
        %add3A_199 = arith.constant 160 : i32
        %add3A_200 = arith.addi %mul3A_111, %add3A_199 : i32
        %add3A_201 = arith.constant 0 : i32
        %add3A_202 = arith.addi %add3A_201, %add3A_200 : i32
        %get3A_203 = arith.index_cast %add3A_202 : i32 to index
        %get3A_204 = tpu.vector_load %arg6[%get3A_203] {strides = array<i32>} : memref<16384xi32, #tpu.memory_space<vmem>>, vector<16xi32>,
        %gather3A_205 = tpu.vector_load_idx %arg5[%get3A_204] : memref<100000xf32, #tpu.memory_space<vmem>>[vector<16xi32>], vector<16xf32>,
        %swap3A_206 = arith.index_cast %add3A_200 : i32 to index
        %swap3A_207 = tpu.vector_load %arg7[%swap3A_206] {strides = array<i32>} : memref<8192xf32, #tpu.memory_space<vmem>>, vector<16xf32>,
        tpu.vector_store %arg7[%swap3A_206], %gather3A_205 {strides = array<i32>} : memref<8192xf32, #tpu.memory_space<vmem>>, vector<16xf32>,
        %add3A_208 = arith.constant 176 : i32
        %add3A_209 = arith.addi %mul3A_111, %add3A_208 : i32
        %add3A_210 = arith.constant 0 : i32
        %add3A_211 = arith.addi %add3A_210, %add3A_209 : i32
        %get3A_212 = arith.index_cast %add3A_211 : i32 to index
        %get3A_213 = tpu.vector_load %arg6[%get3A_212] {strides = array<i32>} : memref<16384xi32, #tpu.memory_space<vmem>>, vector<16xi32>,
        %gather3A_214 = tpu.vector_load_idx %arg5[%get3A_213] : memref<100000xf32, #tpu.memory_space<vmem>>[vector<16xi32>], vector<16xf32>,
        %swap3A_215 = arith.index_cast %add3A_209 : i32 to index
        %swap3A_216 = tpu.vector_load %arg7[%swap3A_215] {strides = array<i32>} : memref<8192xf32, #tpu.memory_space<vmem>>, vector<16xf32>,
        tpu.vector_store %arg7[%swap3A_215], %gather3A_214 {strides = array<i32>} : memref<8192xf32, #tpu.memory_space<vmem>>, vector<16xf32>,
        %add3A_217 = arith.constant 192 : i32
        %add3A_218 = arith.addi %mul3A_111, %add3A_217 : i32
        %add3A_219 = arith.constant 0 : i32
        %add3A_220 = arith.addi %add3A_219, %add3A_218 : i32
        %get3A_221 = arith.index_cast %add3A_220 : i32 to index
        %get3A_222 = tpu.vector_load %arg6[%get3A_221] {strides = array<i32>} : memref<16384xi32, #tpu.memory_space<vmem>>, vector<16xi32>,
        %gather3A_223 = tpu.vector_load_idx %arg5[%get3A_222] : memref<100000xf32, #tpu.memory_space<vmem>>[vector<16xi32>], vector<16xf32>,
        %swap3A_224 = arith.index_cast %add3A_218 : i32 to index
        %swap3A_225 = tpu.vector_load %arg7[%swap3A_224] {strides = array<i32>} : memref<8192xf32, #tpu.memory_space<vmem>>, vector<16xf32>,
        tpu.vector_store %arg7[%swap3A_224], %gather3A_223 {strides = array<i32>} : memref<8192xf32, #tpu.memory_space<vmem>>, vector<16xf32>,
        %add3A_226 = arith.constant 208 : i32
        %add3A_227 = arith.addi %mul3A_111, %add3A_226 : i32
        %add3A_228 = arith.constant 0 : i32
        %add3A_229 = arith.addi %add3A_228, %add3A_227 : i32
        %get3A_230 = arith.index_cast %add3A_229 : i32 to index
        %get3A_231 = tpu.vector_load %arg6[%get3A_230] {strides = array<i32>} : memref<16384xi32, #tpu.memory_space<vmem>>, vector<16xi32>,
        %gather3A_232 = tpu.vector_load_idx %arg5[%get3A_231] : memref<100000xf32, #tpu.memory_space<vmem>>[vector<16xi32>], vector<16xf32>,
        %swap3A_233 = arith.index_cast %add3A_227 : i32 to index
        %swap3A_234 = tpu.vector_load %arg7[%swap3A_233] {strides = array<i32>} : memref<8192xf32, #tpu.memory_space<vmem>>, vector<16xf32>,
        tpu.vector_store %arg7[%swap3A_233], %gather3A_232 {strides = array<i32>} : memref<8192xf32, #tpu.memory_space<vmem>>, vector<16xf32>,
        %add3A_235 = arith.constant 224 : i32
        %add3A_236 = arith.addi %mul3A_111, %add3A_235 : i32
        %add3A_237 = arith.constant 0 : i32
        %add3A_238 = arith.addi %add3A_237, %add3A_236 : i32
        %get3A_239 = arith.index_cast %add3A_238 : i32 to index
        %get3A_240 = tpu.vector_load %arg6[%get3A_239] {strides = array<i32>} : memref<16384xi32, #tpu.memory_space<vmem>>, vector<16xi32>,
        %gather3A_241 = tpu.vector_load_idx %arg5[%get3A_240] : memref<100000xf32, #tpu.memory_space<vmem>>[vector<16xi32>], vector<16xf32>,
        %swap3A_242 = arith.index_cast %add3A_236 : i32 to index
        %swap3A_243 = tpu.vector_load %arg7[%swap3A_242] {strides = array<i32>} : memref<8192xf32, #tpu.memory_space<vmem>>, vector<16xf32>,
        tpu.vector_store %arg7[%swap3A_242], %gather3A_241 {strides = array<i32>} : memref<8192xf32, #tpu.memory_space<vmem>>, vector<16xf32>,
        %add3A_244 = arith.constant 240 : i32
        %add3A_245 = arith.addi %mul3A_111, %add3A_244 : i32
        %add3A_246 = arith.constant 0 : i32
        %add3A_247 = arith.addi %add3A_246, %add3A_245 : i32
        %get3A_248 = arith.index_cast %add3A_247 : i32 to index
        %get3A_249 = tpu.vector_load %arg6[%get3A_248] {strides = array<i32>} : memref<16384xi32, #tpu.memory_space<vmem>>, vector<16xi32>,
        %gather3A_250 = tpu.vector_load_idx %arg5[%get3A_249] : memref<100000xf32, #tpu.memory_space<vmem>>[vector<16xi32>], vector<16xf32>,
        %swap3A_251 = arith.index_cast %add3A_245 : i32 to index
        %swap3A_252 = tpu.vector_load %arg7[%swap3A_251] {strides = array<i32>} : memref<8192xf32, #tpu.memory_space<vmem>>, vector<16xf32>,
        tpu.vector_store %arg7[%swap3A_251], %gather3A_250 {strides = array<i32>} : memref<8192xf32, #tpu.memory_space<vmem>>, vector<16xf32>,
      }
      %scan3A_68 = arith.constant 32 : i32
      %dma_start3A_69 = arith.constant 0 : i32
      %dma_start3A_70 = tpu.memref_slice %arg4[%add3A_22, %dma_start3A_69] : memref<416x16384xf32, #tpu.memory_space<hbm>> -> memref<1x16384xf32, #tpu.memory_space<hbm>>
      %dma_start3A_71 = tpu.memref_squeeze %dma_start3A_70 : memref<1x16384xf32, #tpu.memory_space<hbm>> -> memref<16384xf32, #tpu.memory_space<hbm>>
      %dma_start3A_72 = arith.constant 0 : i32
      %dma_start3A_73 = tpu.memref_slice %dma_start3A_71[%dma_start3A_72] : memref<16384xf32, #tpu.memory_space<hbm>> -> memref<8192xf32, #tpu.memory_space<hbm>>
      %dma_start3A_74 = arith.constant 0 : i32
      %dma_start3A_75 = tpu.memref_slice %arg4[%add3A_22, %dma_start3A_74] : memref<416x16384xf32, #tpu.memory_space<hbm>> -> memref<1x16384xf32, #tpu.memory_space<hbm>>
      %dma_start3A_76 = tpu.memref_squeeze %dma_start3A_75 : memref<1x16384xf32, #tpu.memory_space<hbm>> -> memref<16384xf32, #tpu.memory_space<hbm>>
      %dma_start3A_77 = arith.constant 0 : i32
      %dma_start3A_78 = tpu.memref_slice %dma_start3A_76[%dma_start3A_77] : memref<16384xf32, #tpu.memory_space<hbm>> -> memref<8192xf32, #tpu.memory_space<hbm>>
      tpu.enqueue_dma source(%arg7 : memref<8192xf32, #tpu.memory_space<vmem>>) target(%dma_start3A_78 : memref<8192xf32, #tpu.memory_space<hbm>>) target_semaphore(%arg9 : memref<!tpu.dma_semaphore, #tpu.memory_space<semaphore_mem>>)
      %dma_wait3A_79 = arith.constant 0 : i32
      %dma_wait3A_80 = arith.constant 0 : i32
      %dma_wait3A_81 = tpu.memref_slice %arg4[%dma_wait3A_79, %dma_wait3A_80] : memref<416x16384xf32, #tpu.memory_space<hbm>> -> memref<1x16384xf32, #tpu.memory_space<hbm>>
      %dma_wait3A_82 = tpu.memref_squeeze %dma_wait3A_81 : memref<1x16384xf32, #tpu.memory_space<hbm>> -> memref<16384xf32, #tpu.memory_space<hbm>>
      %dma_wait3A_83 = arith.constant 0 : i32
      %dma_wait3A_84 = tpu.memref_slice %dma_wait3A_82[%dma_wait3A_83] : memref<16384xf32, #tpu.memory_space<hbm>> -> memref<8192xf32, #tpu.memory_space<hbm>>
      %dma_wait3A_85 = arith.constant 0 : i32
      %dma_wait3A_86 = tpu.memref_slice %arg4[%dma_wait3A_79, %dma_wait3A_85] : memref<416x16384xf32, #tpu.memory_space<hbm>> -> memref<1x16384xf32, #tpu.memory_space<hbm>>
      %dma_wait3A_87 = tpu.memref_squeeze %dma_wait3A_86 : memref<1x16384xf32, #tpu.memory_space<hbm>> -> memref<16384xf32, #tpu.memory_space<hbm>>
      %dma_wait3A_88 = arith.constant 0 : i32
      %dma_wait3A_89 = tpu.memref_slice %dma_wait3A_87[%dma_wait3A_88] : memref<16384xf32, #tpu.memory_space<hbm>> -> memref<8192xf32, #tpu.memory_space<hbm>>
      tpu.wait_dma2 semaphore(%arg9 : memref<!tpu.dma_semaphore, #tpu.memory_space<semaphore_mem>>) src(%arg7 : memref<8192xf32, #tpu.memory_space<vmem>>) dst(%dma_wait3A_89 : memref<8192xf32, #tpu.memory_space<hbm>>)
      %scan3A_90 = arith.constant 0 : i32
      %scan3A_91 = arith.constant 32 : i32
      %scan3A_92 = arith.addi %scan3A_90, %scan3A_91 : i32
      %scan3A_93 = arith.constant 1 : i32
      scf.for %scan3A_105 = %scan3A_90 to %scan3A_92 step %scan3A_93  : i32 {
        %mul3A_106 = arith.constant 1 : i32
        %mul3A_107 = arith.muli %scan3A_105, %mul3A_106 : i32
        %add3A_108 = arith.constant 0 : i32
        %add3A_109 = arith.addi %add3A_108, %mul3A_107 : i32
        %mul3A_110 = arith.constant 256 : i32
        %mul3A_111 = arith.muli %add3A_109, %mul3A_110 : i32
        %add3A_112 = arith.constant 0 : i32
        %add3A_113 = arith.addi %mul3A_111, %add3A_112 : i32
        %add3A_114 = arith.constant 8192 : i32
        %add3A_115 = arith.addi %add3A_114, %add3A_113 : i32
        %get3A = arith.index_cast %add3A_115 : i32 to index
        %get3A_116 = tpu.vector_load %arg6[%get3A] {strides = array<i32>} : memref<16384xi32, #tpu.memory_space<vmem>>, vector<16xi32>,
        %gather3A = tpu.vector_load_idx %arg5[%get3A_116] : memref<100000xf32, #tpu.memory_space<vmem>>[vector<16xi32>], vector<16xf32>,
        %swap3A = arith.index_cast %add3A_113 : i32 to index
        %swap3A_117 = tpu.vector_load %arg7[%swap3A] {strides = array<i32>} : memref<8192xf32, #tpu.memory_space<vmem>>, vector<16xf32>,
        tpu.vector_store %arg7[%swap3A], %gather3A {strides = array<i32>} : memref<8192xf32, #tpu.memory_space<vmem>>, vector<16xf32>,
        %add3A_118 = arith.constant 16 : i32
        %add3A_119 = arith.addi %mul3A_111, %add3A_118 : i32
        %add3A_120 = arith.constant 8192 : i32
        %add3A_121 = arith.addi %add3A_120, %add3A_119 : i32
        %get3A_122 = arith.index_cast %add3A_121 : i32 to index
        %get3A_123 = tpu.vector_load %arg6[%get3A_122] {strides = array<i32>} : memref<16384xi32, #tpu.memory_space<vmem>>, vector<16xi32>,
        %gather3A_124 = tpu.vector_load_idx %arg5[%get3A_123] : memref<100000xf32, #tpu.memory_space<vmem>>[vector<16xi32>], vector<16xf32>,
        %swap3A_125 = arith.index_cast %add3A_119 : i32 to index
        %swap3A_126 = tpu.vector_load %arg7[%swap3A_125] {strides = array<i32>} : memref<8192xf32, #tpu.memory_space<vmem>>, vector<16xf32>,
        tpu.vector_store %arg7[%swap3A_125], %gather3A_124 {strides = array<i32>} : memref<8192xf32, #tpu.memory_space<vmem>>, vector<16xf32>,
        %add3A_127 = arith.constant 32 : i32
        %add3A_128 = arith.addi %mul3A_111, %add3A_127 : i32
        %add3A_129 = arith.constant 8192 : i32
        %add3A_130 = arith.addi %add3A_129, %add3A_128 : i32
        %get3A_131 = arith.index_cast %add3A_130 : i32 to index
        %get3A_132 = tpu.vector_load %arg6[%get3A_131] {strides = array<i32>} : memref<16384xi32, #tpu.memory_space<vmem>>, vector<16xi32>,
        %gather3A_133 = tpu.vector_load_idx %arg5[%get3A_132] : memref<100000xf32, #tpu.memory_space<vmem>>[vector<16xi32>], vector<16xf32>,
        %swap3A_134 = arith.index_cast %add3A_128 : i32 to index
        %swap3A_135 = tpu.vector_load %arg7[%swap3A_134] {strides = array<i32>} : memref<8192xf32, #tpu.memory_space<vmem>>, vector<16xf32>,
        tpu.vector_store %arg7[%swap3A_134], %gather3A_133 {strides = array<i32>} : memref<8192xf32, #tpu.memory_space<vmem>>, vector<16xf32>,
        %add3A_136 = arith.constant 48 : i32
        %add3A_137 = arith.addi %mul3A_111, %add3A_136 : i32
        %add3A_138 = arith.constant 8192 : i32
        %add3A_139 = arith.addi %add3A_138, %add3A_137 : i32
        %get3A_140 = arith.index_cast %add3A_139 : i32 to index
        %get3A_141 = tpu.vector_load %arg6[%get3A_140] {strides = array<i32>} : memref<16384xi32, #tpu.memory_space<vmem>>, vector<16xi32>,
        %gather3A_142 = tpu.vector_load_idx %arg5[%get3A_141] : memref<100000xf32, #tpu.memory_space<vmem>>[vector<16xi32>], vector<16xf32>,
        %swap3A_143 = arith.index_cast %add3A_137 : i32 to index
        %swap3A_144 = tpu.vector_load %arg7[%swap3A_143] {strides = array<i32>} : memref<8192xf32, #tpu.memory_space<vmem>>, vector<16xf32>,
        tpu.vector_store %arg7[%swap3A_143], %gather3A_142 {strides = array<i32>} : memref<8192xf32, #tpu.memory_space<vmem>>, vector<16xf32>,
        %add3A_145 = arith.constant 64 : i32
        %add3A_146 = arith.addi %mul3A_111, %add3A_145 : i32
        %add3A_147 = arith.constant 8192 : i32
        %add3A_148 = arith.addi %add3A_147, %add3A_146 : i32
        %get3A_149 = arith.index_cast %add3A_148 : i32 to index
        %get3A_150 = tpu.vector_load %arg6[%get3A_149] {strides = array<i32>} : memref<16384xi32, #tpu.memory_space<vmem>>, vector<16xi32>,
        %gather3A_151 = tpu.vector_load_idx %arg5[%get3A_150] : memref<100000xf32, #tpu.memory_space<vmem>>[vector<16xi32>], vector<16xf32>,
        %swap3A_152 = arith.index_cast %add3A_146 : i32 to index
        %swap3A_153 = tpu.vector_load %arg7[%swap3A_152] {strides = array<i32>} : memref<8192xf32, #tpu.memory_space<vmem>>, vector<16xf32>,
        tpu.vector_store %arg7[%swap3A_152], %gather3A_151 {strides = array<i32>} : memref<8192xf32, #tpu.memory_space<vmem>>, vector<16xf32>,
        %add3A_154 = arith.constant 80 : i32
        %add3A_155 = arith.addi %mul3A_111, %add3A_154 : i32
        %add3A_156 = arith.constant 8192 : i32
        %add3A_157 = arith.addi %add3A_156, %add3A_155 : i32
        %get3A_158 = arith.index_cast %add3A_157 : i32 to index
        %get3A_159 = tpu.vector_load %arg6[%get3A_158] {strides = array<i32>} : memref<16384xi32, #tpu.memory_space<vmem>>, vector<16xi32>,
        %gather3A_160 = tpu.vector_load_idx %arg5[%get3A_159] : memref<100000xf32, #tpu.memory_space<vmem>>[vector<16xi32>], vector<16xf32>,
        %swap3A_161 = arith.index_cast %add3A_155 : i32 to index
        %swap3A_162 = tpu.vector_load %arg7[%swap3A_161] {strides = array<i32>} : memref<8192xf32, #tpu.memory_space<vmem>>, vector<16xf32>,
        tpu.vector_store %arg7[%swap3A_161], %gather3A_160 {strides = array<i32>} : memref<8192xf32, #tpu.memory_space<vmem>>, vector<16xf32>,
        %add3A_163 = arith.constant 96 : i32
        %add3A_164 = arith.addi %mul3A_111, %add3A_163 : i32
        %add3A_165 = arith.constant 8192 : i32
        %add3A_166 = arith.addi %add3A_165, %add3A_164 : i32
        %get3A_167 = arith.index_cast %add3A_166 : i32 to index
        %get3A_168 = tpu.vector_load %arg6[%get3A_167] {strides = array<i32>} : memref<16384xi32, #tpu.memory_space<vmem>>, vector<16xi32>,
        %gather3A_169 = tpu.vector_load_idx %arg5[%get3A_168] : memref<100000xf32, #tpu.memory_space<vmem>>[vector<16xi32>], vector<16xf32>,
        %swap3A_170 = arith.index_cast %add3A_164 : i32 to index
        %swap3A_171 = tpu.vector_load %arg7[%swap3A_170] {strides = array<i32>} : memref<8192xf32, #tpu.memory_space<vmem>>, vector<16xf32>,
        tpu.vector_store %arg7[%swap3A_170], %gather3A_169 {strides = array<i32>} : memref<8192xf32, #tpu.memory_space<vmem>>, vector<16xf32>,
        %add3A_172 = arith.constant 112 : i32
        %add3A_173 = arith.addi %mul3A_111, %add3A_172 : i32
        %add3A_174 = arith.constant 8192 : i32
        %add3A_175 = arith.addi %add3A_174, %add3A_173 : i32
        %get3A_176 = arith.index_cast %add3A_175 : i32 to index
        %get3A_177 = tpu.vector_load %arg6[%get3A_176] {strides = array<i32>} : memref<16384xi32, #tpu.memory_space<vmem>>, vector<16xi32>,
        %gather3A_178 = tpu.vector_load_idx %arg5[%get3A_177] : memref<100000xf32, #tpu.memory_space<vmem>>[vector<16xi32>], vector<16xf32>,
        %swap3A_179 = arith.index_cast %add3A_173 : i32 to index
        %swap3A_180 = tpu.vector_load %arg7[%swap3A_179] {strides = array<i32>} : memref<8192xf32, #tpu.memory_space<vmem>>, vector<16xf32>,
        tpu.vector_store %arg7[%swap3A_179], %gather3A_178 {strides = array<i32>} : memref<8192xf32, #tpu.memory_space<vmem>>, vector<16xf32>,
        %add3A_181 = arith.constant 128 : i32
        %add3A_182 = arith.addi %mul3A_111, %add3A_181 : i32
        %add3A_183 = arith.constant 8192 : i32
        %add3A_184 = arith.addi %add3A_183, %add3A_182 : i32
        %get3A_185 = arith.index_cast %add3A_184 : i32 to index
        %get3A_186 = tpu.vector_load %arg6[%get3A_185] {strides = array<i32>} : memref<16384xi32, #tpu.memory_space<vmem>>, vector<16xi32>,
        %gather3A_187 = tpu.vector_load_idx %arg5[%get3A_186] : memref<100000xf32, #tpu.memory_space<vmem>>[vector<16xi32>], vector<16xf32>,
        %swap3A_188 = arith.index_cast %add3A_182 : i32 to index
        %swap3A_189 = tpu.vector_load %arg7[%swap3A_188] {strides = array<i32>} : memref<8192xf32, #tpu.memory_space<vmem>>, vector<16xf32>,
        tpu.vector_store %arg7[%swap3A_188], %gather3A_187 {strides = array<i32>} : memref<8192xf32, #tpu.memory_space<vmem>>, vector<16xf32>,
        %add3A_190 = arith.constant 144 : i32
        %add3A_191 = arith.addi %mul3A_111, %add3A_190 : i32
        %add3A_192 = arith.constant 8192 : i32
        %add3A_193 = arith.addi %add3A_192, %add3A_191 : i32
        %get3A_194 = arith.index_cast %add3A_193 : i32 to index
        %get3A_195 = tpu.vector_load %arg6[%get3A_194] {strides = array<i32>} : memref<16384xi32, #tpu.memory_space<vmem>>, vector<16xi32>,
        %gather3A_196 = tpu.vector_load_idx %arg5[%get3A_195] : memref<100000xf32, #tpu.memory_space<vmem>>[vector<16xi32>], vector<16xf32>,
        %swap3A_197 = arith.index_cast %add3A_191 : i32 to index
        %swap3A_198 = tpu.vector_load %arg7[%swap3A_197] {strides = array<i32>} : memref<8192xf32, #tpu.memory_space<vmem>>, vector<16xf32>,
        tpu.vector_store %arg7[%swap3A_197], %gather3A_196 {strides = array<i32>} : memref<8192xf32, #tpu.memory_space<vmem>>, vector<16xf32>,
        %add3A_199 = arith.constant 160 : i32
        %add3A_200 = arith.addi %mul3A_111, %add3A_199 : i32
        %add3A_201 = arith.constant 8192 : i32
        %add3A_202 = arith.addi %add3A_201, %add3A_200 : i32
        %get3A_203 = arith.index_cast %add3A_202 : i32 to index
        %get3A_204 = tpu.vector_load %arg6[%get3A_203] {strides = array<i32>} : memref<16384xi32, #tpu.memory_space<vmem>>, vector<16xi32>,
        %gather3A_205 = tpu.vector_load_idx %arg5[%get3A_204] : memref<100000xf32, #tpu.memory_space<vmem>>[vector<16xi32>], vector<16xf32>,
        %swap3A_206 = arith.index_cast %add3A_200 : i32 to index
        %swap3A_207 = tpu.vector_load %arg7[%swap3A_206] {strides = array<i32>} : memref<8192xf32, #tpu.memory_space<vmem>>, vector<16xf32>,
        tpu.vector_store %arg7[%swap3A_206], %gather3A_205 {strides = array<i32>} : memref<8192xf32, #tpu.memory_space<vmem>>, vector<16xf32>,
        %add3A_208 = arith.constant 176 : i32
        %add3A_209 = arith.addi %mul3A_111, %add3A_208 : i32
        %add3A_210 = arith.constant 8192 : i32
        %add3A_211 = arith.addi %add3A_210, %add3A_209 : i32
        %get3A_212 = arith.index_cast %add3A_211 : i32 to index
        %get3A_213 = tpu.vector_load %arg6[%get3A_212] {strides = array<i32>} : memref<16384xi32, #tpu.memory_space<vmem>>, vector<16xi32>,
        %gather3A_214 = tpu.vector_load_idx %arg5[%get3A_213] : memref<100000xf32, #tpu.memory_space<vmem>>[vector<16xi32>], vector<16xf32>,
        %swap3A_215 = arith.index_cast %add3A_209 : i32 to index
        %swap3A_216 = tpu.vector_load %arg7[%swap3A_215] {strides = array<i32>} : memref<8192xf32, #tpu.memory_space<vmem>>, vector<16xf32>,
        tpu.vector_store %arg7[%swap3A_215], %gather3A_214 {strides = array<i32>} : memref<8192xf32, #tpu.memory_space<vmem>>, vector<16xf32>,
        %add3A_217 = arith.constant 192 : i32
        %add3A_218 = arith.addi %mul3A_111, %add3A_217 : i32
        %add3A_219 = arith.constant 8192 : i32
        %add3A_220 = arith.addi %add3A_219, %add3A_218 : i32
        %get3A_221 = arith.index_cast %add3A_220 : i32 to index
        %get3A_222 = tpu.vector_load %arg6[%get3A_221] {strides = array<i32>} : memref<16384xi32, #tpu.memory_space<vmem>>, vector<16xi32>,
        %gather3A_223 = tpu.vector_load_idx %arg5[%get3A_222] : memref<100000xf32, #tpu.memory_space<vmem>>[vector<16xi32>], vector<16xf32>,
        %swap3A_224 = arith.index_cast %add3A_218 : i32 to index
        %swap3A_225 = tpu.vector_load %arg7[%swap3A_224] {strides = array<i32>} : memref<8192xf32, #tpu.memory_space<vmem>>, vector<16xf32>,
        tpu.vector_store %arg7[%swap3A_224], %gather3A_223 {strides = array<i32>} : memref<8192xf32, #tpu.memory_space<vmem>>, vector<16xf32>,
        %add3A_226 = arith.constant 208 : i32
        %add3A_227 = arith.addi %mul3A_111, %add3A_226 : i32
        %add3A_228 = arith.constant 8192 : i32
        %add3A_229 = arith.addi %add3A_228, %add3A_227 : i32
        %get3A_230 = arith.index_cast %add3A_229 : i32 to index
        %get3A_231 = tpu.vector_load %arg6[%get3A_230] {strides = array<i32>} : memref<16384xi32, #tpu.memory_space<vmem>>, vector<16xi32>,
        %gather3A_232 = tpu.vector_load_idx %arg5[%get3A_231] : memref<100000xf32, #tpu.memory_space<vmem>>[vector<16xi32>], vector<16xf32>,
        %swap3A_233 = arith.index_cast %add3A_227 : i32 to index
        %swap3A_234 = tpu.vector_load %arg7[%swap3A_233] {strides = array<i32>} : memref<8192xf32, #tpu.memory_space<vmem>>, vector<16xf32>,
        tpu.vector_store %arg7[%swap3A_233], %gather3A_232 {strides = array<i32>} : memref<8192xf32, #tpu.memory_space<vmem>>, vector<16xf32>,
        %add3A_235 = arith.constant 224 : i32
        %add3A_236 = arith.addi %mul3A_111, %add3A_235 : i32
        %add3A_237 = arith.constant 8192 : i32
        %add3A_238 = arith.addi %add3A_237, %add3A_236 : i32
        %get3A_239 = arith.index_cast %add3A_238 : i32 to index
        %get3A_240 = tpu.vector_load %arg6[%get3A_239] {strides = array<i32>} : memref<16384xi32, #tpu.memory_space<vmem>>, vector<16xi32>,
        %gather3A_241 = tpu.vector_load_idx %arg5[%get3A_240] : memref<100000xf32, #tpu.memory_space<vmem>>[vector<16xi32>], vector<16xf32>,
        %swap3A_242 = arith.index_cast %add3A_236 : i32 to index
        %swap3A_243 = tpu.vector_load %arg7[%swap3A_242] {strides = array<i32>} : memref<8192xf32, #tpu.memory_space<vmem>>, vector<16xf32>,
        tpu.vector_store %arg7[%swap3A_242], %gather3A_241 {strides = array<i32>} : memref<8192xf32, #tpu.memory_space<vmem>>, vector<16xf32>,
        %add3A_244 = arith.constant 240 : i32
        %add3A_245 = arith.addi %mul3A_111, %add3A_244 : i32
        %add3A_246 = arith.constant 8192 : i32
        %add3A_247 = arith.addi %add3A_246, %add3A_245 : i32
        %get3A_248 = arith.index_cast %add3A_247 : i32 to index
        %get3A_249 = tpu.vector_load %arg6[%get3A_248] {strides = array<i32>} : memref<16384xi32, #tpu.memory_space<vmem>>, vector<16xi32>,
        %gather3A_250 = tpu.vector_load_idx %arg5[%get3A_249] : memref<100000xf32, #tpu.memory_space<vmem>>[vector<16xi32>], vector<16xf32>,
        %swap3A_251 = arith.index_cast %add3A_245 : i32 to index
        %swap3A_252 = tpu.vector_load %arg7[%swap3A_251] {strides = array<i32>} : memref<8192xf32, #tpu.memory_space<vmem>>, vector<16xf32>,
        tpu.vector_store %arg7[%swap3A_251], %gather3A_250 {strides = array<i32>} : memref<8192xf32, #tpu.memory_space<vmem>>, vector<16xf32>,
      }
      %scan3A_94 = arith.constant 32 : i32
      %dma_start3A_95 = arith.constant 0 : i32
      %dma_start3A_96 = tpu.memref_slice %arg4[%add3A_22, %dma_start3A_95] : memref<416x16384xf32, #tpu.memory_space<hbm>> -> memref<1x16384xf32, #tpu.memory_space<hbm>>
      %dma_start3A_97 = tpu.memref_squeeze %dma_start3A_96 : memref<1x16384xf32, #tpu.memory_space<hbm>> -> memref<16384xf32, #tpu.memory_space<hbm>>
      %dma_start3A_98 = arith.constant 8192 : i32
      %dma_start3A_99 = tpu.memref_slice %dma_start3A_97[%dma_start3A_98] : memref<16384xf32, #tpu.memory_space<hbm>> -> memref<8192xf32, #tpu.memory_space<hbm>>
      %dma_start3A_100 = arith.constant 0 : i32
      %dma_start3A_101 = tpu.memref_slice %arg4[%add3A_22, %dma_start3A_100] : memref<416x16384xf32, #tpu.memory_space<hbm>> -> memref<1x16384xf32, #tpu.memory_space<hbm>>
      %dma_start3A_102 = tpu.memref_squeeze %dma_start3A_101 : memref<1x16384xf32, #tpu.memory_space<hbm>> -> memref<16384xf32, #tpu.memory_space<hbm>>
      %dma_start3A_103 = arith.constant 8192 : i32
      %dma_start3A_104 = tpu.memref_slice %dma_start3A_102[%dma_start3A_103] : memref<16384xf32, #tpu.memory_space<hbm>> -> memref<8192xf32, #tpu.memory_space<hbm>>
      tpu.enqueue_dma source(%arg7 : memref<8192xf32, #tpu.memory_space<vmem>>) target(%dma_start3A_104 : memref<8192xf32, #tpu.memory_space<hbm>>) target_semaphore(%arg9 : memref<!tpu.dma_semaphore, #tpu.memory_space<semaphore_mem>>)
    }
    %scan3A_4 = arith.constant 13 : i32
    %dma_wait3A = arith.constant 0 : i32
    %dma_wait3A_5 = arith.constant 0 : i32
    %dma_wait3A_6 = tpu.memref_slice %arg4[%dma_wait3A, %dma_wait3A_5] : memref<416x16384xf32, #tpu.memory_space<hbm>> -> memref<1x16384xf32, #tpu.memory_space<hbm>>
    %dma_wait3A_7 = tpu.memref_squeeze %dma_wait3A_6 : memref<1x16384xf32, #tpu.memory_space<hbm>> -> memref<16384xf32, #tpu.memory_space<hbm>>
    %dma_wait3A_8 = arith.constant 0 : i32
    %dma_wait3A_9 = tpu.memref_slice %dma_wait3A_7[%dma_wait3A_8] : memref<16384xf32, #tpu.memory_space<hbm>> -> memref<8192xf32, #tpu.memory_space<hbm>>
    %dma_wait3A_10 = arith.constant 0 : i32
    %dma_wait3A_11 = tpu.memref_slice %arg4[%dma_wait3A, %dma_wait3A_10] : memref<416x16384xf32, #tpu.memory_space<hbm>> -> memref<1x16384xf32, #tpu.memory_space<hbm>>
    %dma_wait3A_12 = tpu.memref_squeeze %dma_wait3A_11 : memref<1x16384xf32, #tpu.memory_space<hbm>> -> memref<16384xf32, #tpu.memory_space<hbm>>
    %dma_wait3A_13 = arith.constant 0 : i32
    %dma_wait3A_14 = tpu.memref_slice %dma_wait3A_12[%dma_wait3A_13] : memref<16384xf32, #tpu.memory_space<hbm>> -> memref<8192xf32, #tpu.memory_space<hbm>>
    tpu.wait_dma2 semaphore(%arg9 : memref<!tpu.dma_semaphore, #tpu.memory_space<semaphore_mem>>) src(%arg7 : memref<8192xf32, #tpu.memory_space<vmem>>) dst(%dma_wait3A_14 : memref<8192xf32, #tpu.memory_space<hbm>>)
    return
  }
}

module attributes {stable_mosaic.version = 14 : i64} {
  func.func @_mlp_body(%arg0: i32, %arg1: memref<13x2048xf32, #tpu.memory_space<vmem>>, %arg2: memref<416x2048xf32, #tpu.memory_space<vmem>>, %arg3: memref<13x858xf32, #tpu.memory_space<vmem>>, %arg4: memref<416x858xf32, #tpu.memory_space<vmem>>, %arg5: memref<1x858xf32, #tpu.memory_space<vmem>>, %arg6: memref<858x128xf32, #tpu.memory_space<vmem>>, %arg7: memref<1x128xf32, #tpu.memory_space<vmem>>, %arg8: memref<2048x128xf32, #tpu.memory_space<vmem>>) attributes {dimension_semantics = [#tpu.dimension_semantics<arbitrary>], iteration_bounds = array<i64: 8>, scalar_prefetch = 0 : i64, scratch_operands = 0 : i64, tpu.core_type = #tpu.core_type<tc>, window_params = [{transform_indices = @transform_0, window_bounds = array<i64: 13, 2048>}, {transform_indices = @transform_1, window_bounds = array<i64: 416, 2048>}, {pipeline_mode = #tpu.pipeline_mode<synchronous>, transform_indices = @transform_2, window_bounds = array<i64: 13, 858>}, {pipeline_mode = #tpu.pipeline_mode<synchronous>, transform_indices = @transform_3, window_bounds = array<i64: 416, 858>}, {pipeline_mode = #tpu.pipeline_mode<synchronous>, transform_indices = @transform_4, window_bounds = array<i64: 1, 858>}, {pipeline_mode = #tpu.pipeline_mode<synchronous>, transform_indices = @transform_5, window_bounds = array<i64: 858, 128>}, {pipeline_mode = #tpu.pipeline_mode<synchronous>, transform_indices = @transform_6, window_bounds = array<i64: 1, 128>}, {transform_indices = @transform_7, window_bounds = array<i64: 2048, 128>}]} {
    %get3A = arith.constant 0 : index
    %get3A_0 = arith.constant 0 : index
    %get3A_1 = vector.load %arg2[%get3A, %get3A_0] : memref<416x2048xf32, #tpu.memory_space<vmem>>, vector<416x2048xf32>
    %get3A_2 = arith.constant 0 : index
    %get3A_3 = arith.constant 0 : index
    %get3A_4 = vector.load %arg4[%get3A_2, %get3A_3] : memref<416x858xf32, #tpu.memory_space<vmem>>, vector<416x858xf32>
    %dot_general3A = arith.constant dense<0.000000e+00> : vector<2048x858xf32>
    %dot_general3A_5 = tpu.matmul %get3A_1, %get3A_4, %dot_general3A {dimension_numbers = #tpu.dot_dimension_numbers<[0], [0], [1], [1], [0, 1, 1, 1], [], []>, transpose_lhs_hint = false} : vector<416x2048xf32>, vector<416x858xf32>, vector<2048x858xf32> -> vector<2048x858xf32>
    %get3A_6 = arith.constant 0 : index
    %get3A_7 = arith.constant 0 : index
    %get3A_8 = vector.load %arg1[%get3A_6, %get3A_7] : memref<13x2048xf32, #tpu.memory_space<vmem>>, vector<13x2048xf32>
    %get3A_9 = arith.constant 0 : index
    %get3A_10 = arith.constant 0 : index
    %get3A_11 = vector.load %arg3[%get3A_9, %get3A_10] : memref<13x858xf32, #tpu.memory_space<vmem>>, vector<13x858xf32>
    %dot_general3A_12 = arith.constant dense<0.000000e+00> : vector<2048x858xf32>
    %dot_general3A_13 = tpu.matmul %get3A_8, %get3A_11, %dot_general3A_12 {dimension_numbers = #tpu.dot_dimension_numbers<[0], [0], [1], [1], [0, 1, 1, 1], [], []>, transpose_lhs_hint = false} : vector<13x2048xf32>, vector<13x858xf32>, vector<2048x858xf32> -> vector<2048x858xf32>
    %add3A = arith.addf %dot_general3A_5, %dot_general3A_13 : vector<2048x858xf32>
    %get3A_14 = arith.constant 0 : index
    %get3A_15 = arith.constant 0 : index
    %get3A_16 = vector.load %arg5[%get3A_14, %get3A_15] : memref<1x858xf32, #tpu.memory_space<vmem>>, vector<1x858xf32>
    %add3A_17 = vector.broadcast %get3A_16 : vector<1x858xf32> to vector<2048x858xf32>
    %add3A_18 = arith.addf %add3A, %add3A_17 : vector<2048x858xf32>
    %max3A = arith.constant 0.000000e+00 : f32
    %max3A_19 = vector.broadcast %max3A : f32 to vector<2048x858xf32>
    %max3A_20 = arith.maximumf %add3A_18, %max3A_19 : vector<2048x858xf32>
    %get3A_21 = arith.constant 0 : index
    %get3A_22 = arith.constant 0 : index
    %get3A_23 = vector.load %arg6[%get3A_21, %get3A_22] : memref<858x128xf32, #tpu.memory_space<vmem>>, vector<858x128xf32>
    %dot_general3A_24 = arith.constant dense<0.000000e+00> : vector<2048x128xf32>
    %dot_general3A_25 = tpu.matmul %max3A_20, %get3A_23, %dot_general3A_24 {dimension_numbers = #tpu.dot_dimension_numbers<[1], [0], [0], [1], [0, 0, 1, 1], [], []>, transpose_lhs_hint = false} : vector<2048x858xf32>, vector<858x128xf32>, vector<2048x128xf32> -> vector<2048x128xf32>
    %get3A_26 = arith.constant 0 : index
    %get3A_27 = arith.constant 0 : index
    %get3A_28 = vector.load %arg7[%get3A_26, %get3A_27] : memref<1x128xf32, #tpu.memory_space<vmem>>, vector<1x128xf32>
    %add3A_29 = vector.broadcast %get3A_28 : vector<1x128xf32> to vector<2048x128xf32>
    %add3A_30 = arith.addf %dot_general3A_25, %add3A_29 : vector<2048x128xf32>
    %swap3A = arith.constant 0 : index
    %swap3A_31 = arith.constant 0 : index
    %swap3A_32 = vector.load %arg8[%swap3A, %swap3A_31] : memref<2048x128xf32, #tpu.memory_space<vmem>>, vector<2048x128xf32>
    tpu.vector_store %arg8[%swap3A, %swap3A_31], %add3A_30 {strides = array<i32>} : memref<2048x128xf32, #tpu.memory_space<vmem>>, vector<2048x128xf32>,
    return
  }
  func.func @transform_0(%arg0: i32) -> (i32, i32) {
    %c0_i32 = arith.constant 0 : i32
    %c0_i32_0 = arith.constant 0 : i32
    return %c0_i32, %arg0 : i32, i32
  }
  func.func @transform_1(%arg0: i32) -> (i32, i32) {
    %c0_i32 = arith.constant 0 : i32
    %c0_i32_0 = arith.constant 0 : i32
    return %c0_i32, %arg0 : i32, i32
  }
  func.func @transform_2(%arg0: i32) -> (i32, i32) {
    %c0_i32 = arith.constant 0 : i32
    %c0_i32_0 = arith.constant 0 : i32
    %c0_i32_1 = arith.constant 0 : i32
    return %c0_i32, %c0_i32_0 : i32, i32
  }
  func.func @transform_3(%arg0: i32) -> (i32, i32) {
    %c0_i32 = arith.constant 0 : i32
    %c0_i32_0 = arith.constant 0 : i32
    %c0_i32_1 = arith.constant 0 : i32
    return %c0_i32, %c0_i32_0 : i32, i32
  }
  func.func @transform_4(%arg0: i32) -> (i32, i32) {
    %c0_i32 = arith.constant 0 : i32
    %c0_i32_0 = arith.constant 0 : i32
    %c0_i32_1 = arith.constant 0 : i32
    return %c0_i32, %c0_i32_0 : i32, i32
  }
  func.func @transform_5(%arg0: i32) -> (i32, i32) {
    %c0_i32 = arith.constant 0 : i32
    %c0_i32_0 = arith.constant 0 : i32
    %c0_i32_1 = arith.constant 0 : i32
    return %c0_i32, %c0_i32_0 : i32, i32
  }
  func.func @transform_6(%arg0: i32) -> (i32, i32) {
    %c0_i32 = arith.constant 0 : i32
    %c0_i32_0 = arith.constant 0 : i32
    %c0_i32_1 = arith.constant 0 : i32
    return %c0_i32, %c0_i32_0 : i32, i32
  }
  func.func @transform_7(%arg0: i32) -> (i32, i32) {
    %c0_i32 = arith.constant 0 : i32
    %c0_i32_0 = arith.constant 0 : i32
    return %arg0, %c0_i32 : i32, i32
  }
}

</mosaic_0001>

<sc_bundles>
// kernel: kernel.4.cloned.1.call-start
scs
__scs_entry_jumppad:
0x0: {  	(pc) =	sbr.rel $0x88, $3  }
0x1: {  	(tag) =	ssettag $0x0;
	lr =	simm.s32 $0x1  }
0x2: {  	[smem:$0x3F9A] =	sst lr;
	_ =	strace $0xD0000000  }
0x3: {  	_ = 	snop  }
0x4: {  	_ = 	snop  }
0x5: {  	_ = 	snop  }
0x6: {  	_ = 	snop  }
0x7: {  	_ = 	snop  }
__scs_overlays_trampoline_lowered:
0x8: {  	[smem:$0x3FA9] =	sst s0  }
0x9: {  	[smem:$0x3FAA] =	sst s1  }
0xa: {  	[smem:$0x3FAB] =	sst s2  }
0xb: {  	[smem:$0x3FAC] =	sst s3  }
0xc: {  	[smem:$0x3FAD] =	sst s4  }
0xd: {  	[smem:$0x3FAE] =	sst s5  }
0xe: {  	[smem:$0x3FAF] =	sst s6  }
0xf: {  	[smem:$0x3FB0] =	sst s7  }
0x10: {  	[smem:$0x3FB1] =	sst s8  }
0x11: {  	[smem:$0x3FB2] =	sst s9;
	s0 =	simm.s32 @!p0 $0x0  }
0x12: {  	s1 =	sld [smem:$0x3F98];
	s0 =	simm.s32 @p0 $0x1  }
0x13: {  	[smem:$0x3FB3] =	sst s0;
	s0 =	simm.s32 @!p1 $0x0  }
0x14: {  	s2 =	sld [smem:$0x3F97];
	s0 =	simm.s32 @p1 $0x1  }
0x15: {  	[smem:$0x3FB4] =	sst s0;
	s0 =	simm.s32 @!p2 $0x0  }
0x16: {  	s3 =	sld [smem:$0x3FDB];
	s0 =	simm.s32 @p2 $0x1  }
0x17: {  	s4 =	simm.s32 $0x1BF5;
	[smem:$0x3FB6] =	sst s0  }
0x18: {  	s0 =	sld [smem:$0x3F99];
	_ =	swait.ge [sflag:s4], $0x0  }
0x19: {  	s7 =	sld [smem:$0x3F9A]  }
0x1a: {  	s8 =	sadd.s32 $0xFFFFE003, lr  }
0x1b: {  	s9 =	sadd.s32 $0xFFFFFEF7, lr;
	s5 =	simm.s32 $0xFFFFFFFF;
	p2 =	slt.u32 s8, $0xFFFFF086  }
0x1c: {  	p1 =	slt.u32 s9, $0xF7A;
	s5 =	simm.s32 @!p2 $0x0  }
0x1d: {  	s5 =	simm.s32 @p1 $0x1;
	p0 =	seq.s32 s7, s2  }
0x1e: {  	s7 =	smul.u32 @!p0 $0xF7A, s2;
	p2 =	seq.s32 @!p0 s5, $0x0  }
0x1f: {  	s9 =	smul.u32 $0xF7A, s1;
	s8 =	simm.s32 @!p0 $0x1BF5;
	p2 =	por !p2, p0  }
0x20: {  	[sflag:s8] =	ssyncset.s32 @!p0 $0xFFFFF086;
	s6 =	sadd.s32 @!p0 s3, s7;
	s7 =	simm.s32 @!p0 $0x108  }
0x21: {  	s3 =	sadd.s32 s3, s9;
	s6 =	sadd.s32 @!p0 $0x88, s6;
	s7 =	simm.s32 @p2 $0x1082  }
0x22: {  	[simem:s7], [sflag:s8] =	dma.local @!p0 [hbm:s6], $0xF7A  }
0x23: {  	s9 =	sor.u32 $0xD0000000, s2;
	s6 =	simm.s32 $0x108;
	_ =	swait.ge @!p0 [sflag:s8], $0x0  }
0x24: {  	s3 =	sadd.s32 $0x88, s3;
	s6 =	simm.s32 @!p1 $0x1082;
	[sflag:s4] =	ssyncset.s32 $0xFFFFF086  }
0x25: {  	[simem:s6], [sflag:s4] =	dma.local [hbm:s3], $0xF7A  }
0x26: {  	[smem:$0x3F9A] =	sst s1;
	(tag) =	ssettag s2;
	_ =	strace s9  }
0x27: {  	s1 =	sld [smem:$0x3FAA]  }
0x28: {  	s2 =	sld [smem:$0x3FAB]  }
0x29: {  	s4 =	sld [smem:$0x3FAD]  }
0x2a: {  	p0 =	seq.s32 s5, $0x0;
	s5 =	sld [smem:$0x3FAE]  }
0x2b: {  	s6 =	sld [smem:$0x3FAF]  }
0x2c: {  	s7 =	sld [smem:$0x3FB0]  }
0x2d: {  	s3 =	simm.s32 $0x108;
	s8 =	sld [smem:$0x3FB1]  }
0x2e: {  	s3 =	simm.s32 @!p0 $0x1082;
	s9 =	sld [smem:$0x3FB2]  }
0x2f: {  	lr =	sadd.s32 s0, s3;
	s0 =	sld [smem:$0x3FA9]  }
0x30: {  	s3 =	sld [smem:$0x3FAC]  }
0x31: {  	[smem:$0x3FB5] =	sst s10  }
0x32: {  	s10 =	sld [smem:$0x3FB3];
	_ =	sdelay $0x3  }
0x33: {  	p0 =	seq.s32 s10, $0x1;
	s10 =	sld [smem:$0x3FB5];
	_ =	sdelay $0x3  }
0x34: {  	[smem:$0x3FB5] =	sst s10  }
0x35: {  	s10 =	sld [smem:$0x3FB4];
	_ =	sdelay $0x3  }
0x36: {  	p1 =	seq.s32 s10, $0x1;
	s10 =	sld [smem:$0x3FB5];
	_ =	sdelay $0x3  }
0x37: {  	[smem:$0x3FB5] =	sst s10  }
0x38: {  	s10 =	sld [smem:$0x3FB6]  }
0x39: {  	_ = 	snop;
	(pc) =	sbr.ind lr, $3  }
0x3a: {  	_ = 	snop  }
0x3b: {  	_ = 	snop  }
0x3c: {  	p2 =	seq.s32 s10, $0x1;
	s10 =	sld [smem:$0x3FB5]  }
0x3d: {  	_ =	shalt  }
0x3e: {  	_ =	shalt  }
0x3f: {  	_ =	shalt  }
0x40: {  	_ =	shalt  }
0x41: {  	_ =	shalt  }
0x42: {  	_ =	shalt  }
0x43: {  	_ =	shalt  }
0x44: {  	_ =	shalt  }
0x45: {  	_ =	shalt  }
0x46: {  	_ =	shalt  }
0x47: {  	_ =	shalt  }
0x48: {  	_ =	shalt  }
0x49: {  	_ =	shalt  }
0x4a: {  	_ =	shalt  }
0x4b: {  	_ =	shalt  }
0x4c: {  	_ =	shalt  }
0x4d: {  	_ =	shalt  }
0x4e: {  	_ =	shalt  }
0x4f: {  	_ =	shalt  }
0x50: {  	_ =	shalt  }
0x51: {  	_ =	shalt  }
0x52: {  	_ =	shalt  }
0x53: {  	_ =	shalt  }
0x54: {  	_ =	shalt  }
0x55: {  	_ =	shalt  }
0x56: {  	_ =	shalt  }
0x57: {  	_ =	shalt  }
0x58: {  	_ =	shalt  }
0x59: {  	_ =	shalt  }
0x5a: {  	_ =	shalt  }
0x5b: {  	_ =	shalt  }
0x5c: {  	_ =	shalt  }
0x5d: {  	_ =	shalt  }
0x5e: {  	_ =	shalt  }
0x5f: {  	_ =	shalt  }
0x60: {  	_ =	shalt  }
0x61: {  	_ =	shalt  }
0x62: {  	_ =	shalt  }
0x63: {  	_ =	shalt  }
0x64: {  	_ =	shalt  }
0x65: {  	_ =	shalt  }
0x66: {  	_ =	shalt  }
0x67: {  	_ =	shalt  }
0x68: {  	_ =	shalt  }
0x69: {  	_ =	shalt  }
0x6a: {  	_ =	shalt  }
0x6b: {  	_ =	shalt  }
0x6c: {  	_ =	shalt  }
0x6d: {  	_ =	shalt  }
0x6e: {  	_ =	shalt  }
0x6f: {  	_ =	shalt  }
0x70: {  	_ =	shalt  }
0x71: {  	_ =	shalt  }
0x72: {  	_ =	shalt  }
0x73: {  	_ =	shalt  }
0x74: {  	_ =	shalt  }
0x75: {  	_ =	shalt  }
0x76: {  	_ =	shalt  }
0x77: {  	_ =	shalt  }
0x78: {  	_ =	shalt  }
0x79: {  	_ =	shalt  }
0x7a: {  	_ =	shalt  }
0x7b: {  	_ =	shalt  }
0x7c: {  	_ =	shalt  }
0x7d: {  	_ =	shalt  }
0x7e: {  	_ =	shalt  }
0x7f: {  	_ =	shalt  }
0x80: {  	_ =	shalt  }
0x81: {  	_ =	shalt  }
0x82: {  	_ =	shalt  }
0x83: {  	_ =	shalt  }
0x84: {  	_ =	shalt  }
0x85: {  	_ =	shalt  }
0x86: {  	_ =	shalt  }
0x87: {  	_ =	shalt  }
.Lfunc_end0:
.L_simem_size_0:
called_computation_lowered:
.L_overlay_start_0:
0x88: {  	s2 =	sld [smem:$0x3FD9]  }
0x89: {  	s3 =	sld [smem:$0x3FFE];
	_ =	sdelay $0x1  }
0x8a: {  	s1 =	srdreg.scid  }
0x8b: {  	s0 =	sand.u32 $0x1, s1  }
0x8c: {  	s17 =	sshll.u32 s0, $0xA;
	s2 =	sadd.s32 s3, s2  }
0x8d: {  	s2 =	sadd.s32 s2, s17  }
0x8e: {  	[smem:$0x3FC1] =	sst s2  }
0x8f: {  	_ = 	snop  }
0x90: {  	s2 =	sld [smem:$0x3FC8]  }
0x91: {  	s18 =	sld [smem:$0x3FC7];
	(tm) =	ssettm $0x1  }
0x92: {  	s4 =	sld [smem:$0x3FFB];
	_ =	sdelay $0x3  }
0x93: {  	_ =	strace s4  }
0x94: {  	s4 =	sld [smem:$0x3FFC];
	_ =	sdelay $0x3  }
0x95: {  	_ =	strace s4  }
0x96: {  	s4 =	sld [smem:$0x3FFD];
	_ =	sdelay $0x3  }
0x97: {  	_ =	strace s4  }
0x98: {  	_ =	strace $0x8FFFFFFF  }
0x99: {  	s19 =	sld [smem:$0x3FDB];
	_ =	sdelay $0x1  }
0x9a: {  	s5 =	simm.s32 $_scs_section_size  }
0x9b: {  	s6 =	simm.s32 $_size__tile_overlayer_lowered;
	s7 =	simm.s32 $_tile_overlayer_lowered  }
0x9c: {  	s22 =	simm.s32 $0x1BFF;
	s21 =	sshll.u32 s7, $0x1;
	s4 =	sadd.s32 s5, s19  }
0x9d: {  	s8 =	simm.s32 $0x0;
	s20 =	sshll.u32 s6, $0x1;
	s6 =	sadd.s32 s21, s4  }
0x9e: {  	[timem:s8], [sflag:s22] =	dma.local [hbm:s6], s20  }
0x9f: {  	_ =	swait.ge [sflag:s22], s20  }
0xa0: {  	s5 =	ssub.s32 $0x0, s20;
	[sflag:s22] =	ssyncset.done $0x0  }
0xa1: {  	[sflag:s22] =	ssyncadd.s32 s5;
	_ =	sdelay $0x1  }
0xa2: {  	s23 =	simm.s32 $0x1B8B  }
0xa3: {  	_ =	swait.ge [sflag:s23], $0x1  }
0xa4: {  	[sflag:s23] =	ssyncset.done $0x0  }
0xa5: {  	s25 =	simm.s32 $0x1B8E;
	s24 =	sld [smem:$0x3FFE];
	[sflag:s23] =	ssyncadd.s32 $0xFFFFFFFF  }
0xa6: {  	s26 =	simm.s32 $execute0_lowered;
	[smem:$0x3FD2] =	sst s25  }
0xa7: {  	s6 =	sshll.u32 s26, $0x1;
	_ =	strace $0x80000046;
	[dreg:$0x1] =	wrdreg $0xFFFFFFFF  }
0xa8: {  	s28 =	simm.s32 $_size_execute0_lowered;
	s4 =	sadd.s32 s4, s6;
	[dreg:$0x0] =	wrdreg $0x0  }
0xa9: {  	s6 =	sshll.u32 s28, $0x1;
	[dreg:$0x2] =	wrdreg s4  }
0xaa: {  	[dreg:$0x3] =	wrdreg s6  }
0xab: {  	[dreg:$0x4] =	wrdreg $0xC0  }
0xac: {  	_ =	task [dreg:s8], $0x5FFFF  }
0xad: {  	[dreg:$0x1] =	wrdreg $0xFFFFFFFF  }
0xae: {  	[dreg:$0x0] =	wrdreg $0x60  }
0xaf: {  	[dreg:$0x2] =	wrdreg s18  }
0xb0: {  	[dreg:$0x3] =	wrdreg s2  }
0xb1: {  	[dreg:$0x4] =	wrdreg s24  }
0xb2: {  	[dreg:$0x5] =	wrdreg $0x9  }
0xb3: {  	_ =	task.clear_ibuf [dreg:s8], $0x6FFFF;
	_ =	strace $0x90000046  }
0xb4: {  	s29 =	simm.s32 $0x9;
	_ =	strace $0x80000048  }
0xb5: {  	_ =	swait.ge [sflag:s29], $0x1  }
0xb6: {  	[sflag:s29] =	ssyncadd.s32 $0xFFFFFFFF  }
0xb7: {  	_ =	strace $0x90000048  }
0xb8: {  	_ =	sfence  }
0xb9: {  	s30 =	sld [smem:$0x0];
	_ =	sdelay $0x2  }
0xba: {  	s31 =	sshll.u32 s1, $0xD;
	s1 =	sshrl.u32 s1, $0x2  }
0xbb: {  	s3 =	sand.u32 $0x4000, s31;
	s1 =	sadd.s32 s1, s30  }
0xbc: {  	s0 =	sor.u32 s3, s0;
	s1 =	sshll.u32 s1, $0x11  }
0xbd: {  	s0 =	sor.u32 s1, s0  }
0xbe: {  	s0 =	sadd.s32 $0x8F2B, s0  }
0xbf: {  	[sflag:s0] =	ssyncadd.remote.s32 $0x1  }
0xc0: {  	_ =	sfence.sel $0xFFFF  }
0xc1: {  	[dreg:$0x0] =	wrdreg $0xFFFFFFFF;
	(pc) =	sbr.abs _section_cstart, $3  }
0xc2: {  	[dreg:$0x1] =	wrdreg $0xFFFFFFFF  }
0xc3: {  	_ =	task.clear_ibuf [dreg:s8], $0x2FFFF;
	_ =	strace $0x9FFFFFFF  }
0xc4: {  	(tm) =	ssettm $0x7FFFFFFF  }
0xc5: {  	_ =	shalt  }
tec
execute0_lowered:
.L_overlay_start_1:
0x0: {  	(tag) =	ssettag $0x1  }
0x1: {  	s1 =	rddreg [dreg:$0x0]  }
0x2: {  	s2 =	rddreg [dreg:$0x1]  }
0x3: {  	s5 =	rddreg [dreg:$0x2];
	s3 =	srdreg.scid  }
0x4: {  	s0 =	rddreg [dreg:$0x3];
	s4 =	simm.s32 $0x0;
	s10 =	simm.s32 $0x18700  }
0x5: {  	s11 =	simm.s32 $0x1;
	s12 =	simm.s32 $0x1C700;
	s13 =	simm.s32 $0x2  }
0x6: {  	s14 =	simm.s32 $0x0;
	s6 =	sand.u32 $0x1, s3;
	[smem:$0x7FF] =	sst s4  }
0x7: {  	s3 =	stileid.u32;
	s5 =	sadd.s32 $0xE00, s5;
	s7 =	ssub.s32 $0x2, s6  }
0x8: {  	_ =	strace $0x80000047;
	s9 =	sshll.u32 s3, $0x1;
	s8 =	sshrl.u32 s7, $0x1  }
0x9: {  	s6 =	sor.u32 s6, s9;
	s9 =	simm.s32 $0x400;
	s7 =	ssub.s32 s7, s8  }
0xa: {  	s6 =	smul.u32 $0xD, s6;
	s8 =	simm.s32 $0x80;
	s7 =	smax.u32 s7, $0x1  }
.LBB2_1:
0xb: {  	s15 =	simm.s32 $0x0  }
.LBB2_2:
0xc: {  	s16 =	sadd.s32 s6, s15  }
0xd: {  	s17 =	sshll.u32 s16, $0x7;
	s18 =	sand.u32 $0x70, s16  }
0xe: {  	s16 =	sshrl.u32 s16, $0x3;
	s19 =	sand.u32 $0xFFFC000, s17;
	s18 =	sadd.s32 s2, s18  }
0xf: {  	s31 =	smul.u32 $0xC3800, s16;
	s17 =	sand.u32 $0x380, s17;
	s18 =	sadd.s32 s19, s18  }
0x10: {  	[tilespmem:s10], [sflag:$0x1] =	stream.strided.gather [hbm4b:s18+s8], $0x4000, s9, s8, $0x38;
	[tilespmem:$0x1E700] =	vst v63  }
0x11: {  	s18 =	sor.u32 s17, s31  }
0x12: {  	s18 =	sshrl.u32 s18, $0x3  }
0x13: {  	s18 =	sadd.s32 s1, s18  }
0x14: {  	[tilespmem:s4], [sflag:$0x1] =	stream.strided.gather [hbm4b:s18+s8], $0x18700, s9, s8, $0x38;
	[tilespmem:$0x1E700] =	vst v63  }
0x15: {  	_ =	swait.ge [sflag:s11], $0x4000  }
0x16: {  	[sflag:s11] =	ssyncset.done $0x0  }
0x17: {  	[sflag:s11] =	ssyncadd.s32 $0xFFFFC000  }
0x18: {  	_ =	swait.ge [sflag:s11], $0x18700  }
0x19: {  	p0 =	seq.s32 s15, $0x0;
	[sflag:s11] =	ssyncset.done $0x0  }
0x1a: {  	s18 =	simm.s32 @!p0 $0x2;
	[sflag:s11] =	ssyncadd.s32 $0xFFFE7900  }
0x1b: {  	_ =	swait.ge @!p0 [sflag:s18], $0x2000  }
0x1c: {  	[sflag:s18] =	ssyncset.done @!p0 $0x0  }
0x1d: {  	[sflag:s18] =	ssyncadd.s32 @!p0 $0xFFFFE000;
	s18 =	simm.s32 $0x0  }
0x1e: {  	v0 =	vld [tilespmem:s18+$0x18700];
	_ =	sdelay $0x5  }
0x1f: {  	v1 =	vld [tilespmem:s18+$0x18710];
	_ =	sdelay $0x1  }
0x20: {  	v0 =	vld.idx.msk [tilespmem:v0+s4+$0x0], $0xffff;
	_ =	sdelay $0x4  }
0x21: {  	[tilespmem:s18+$0x1C700] =	vst v0;
	v0 =	vld [tilespmem:s18+$0x18720]  }
0x22: {  	v1 =	vld.idx.msk [tilespmem:v1+s4+$0x0], $0xffff;
	_ =	sdelay $0x4  }
0x23: {  	[tilespmem:s18+$0x1C710] =	vst v1;
	v1 =	vld [tilespmem:s18+$0x18730];
	_ =	sdelay $0x1  }
0x24: {  	v0 =	vld.idx.msk [tilespmem:v0+s4+$0x0], $0xffff;
	_ =	sdelay $0x4  }
0x25: {  	[tilespmem:s18+$0x1C720] =	vst v0;
	v0 =	vld [tilespmem:s18+$0x18740]  }
0x26: {  	v1 =	vld.idx.msk [tilespmem:v1+s4+$0x0], $0xffff;
	_ =	sdelay $0x4  }
0x27: {  	[tilespmem:s18+$0x1C730] =	vst v1;
	v1 =	vld [tilespmem:s18+$0x18750];
	_ =	sdelay $0x1  }
0x28: {  	v0 =	vld.idx.msk [tilespmem:v0+s4+$0x0], $0xffff;
	_ =	sdelay $0x4  }
0x29: {  	[tilespmem:s18+$0x1C740] =	vst v0;
	v0 =	vld [tilespmem:s18+$0x18760]  }
0x2a: {  	v1 =	vld.idx.msk [tilespmem:v1+s4+$0x0], $0xffff;
	_ =	sdelay $0x4  }
0x2b: {  	[tilespmem:s18+$0x1C750] =	vst v1;
	v1 =	vld [tilespmem:s18+$0x18770];
	_ =	sdelay $0x1  }
0x2c: {  	v0 =	vld.idx.msk [tilespmem:v0+s4+$0x0], $0xffff;
	_ =	sdelay $0x4  }
0x2d: {  	[tilespmem:s18+$0x1C760] =	vst v0;
	v0 =	vld [tilespmem:s18+$0x18780]  }
0x2e: {  	v1 =	vld.idx.msk [tilespmem:v1+s4+$0x0], $0xffff;
	_ =	sdelay $0x4  }
0x2f: {  	[tilespmem:s18+$0x1C770] =	vst v1;
	v1 =	vld [tilespmem:s18+$0x18790];
	_ =	sdelay $0x1  }
0x30: {  	v0 =	vld.idx.msk [tilespmem:v0+s4+$0x0], $0xffff;
	_ =	sdelay $0x4  }
0x31: {  	[tilespmem:s18+$0x1C780] =	vst v0;
	v0 =	vld [tilespmem:s18+$0x187A0]  }
0x32: {  	v1 =	vld.idx.msk [tilespmem:v1+s4+$0x0], $0xffff;
	_ =	sdelay $0x4  }
0x33: {  	[tilespmem:s18+$0x1C790] =	vst v1;
	v1 =	vld [tilespmem:s18+$0x187B0];
	_ =	sdelay $0x1  }
0x34: {  	v0 =	vld.idx.msk [tilespmem:v0+s4+$0x0], $0xffff;
	_ =	sdelay $0x4  }
0x35: {  	[tilespmem:s18+$0x1C7A0] =	vst v0;
	v0 =	vld [tilespmem:s18+$0x187C0]  }
0x36: {  	v1 =	vld.idx.msk [tilespmem:v1+s4+$0x0], $0xffff;
	_ =	sdelay $0x4  }
0x37: {  	[tilespmem:s18+$0x1C7B0] =	vst v1;
	v1 =	vld [tilespmem:s18+$0x187D0];
	_ =	sdelay $0x1  }
0x38: {  	v0 =	vld.idx.msk [tilespmem:v0+s4+$0x0], $0xffff;
	_ =	sdelay $0x4  }
0x39: {  	v2 =	vld [tilespmem:s18+$0x187E0];
	[tilespmem:s18+$0x1C7C0] =	vst v0  }
0x3a: {  	v0 =	vld.idx.msk [tilespmem:v1+s4+$0x0], $0xffff;
	_ =	sdelay $0x4  }
0x3b: {  	[tilespmem:s18+$0x1C7D0] =	vst v0;
	v0 =	vld [tilespmem:s18+$0x187F0];
	_ =	sdelay $0x1  }
0x3c: {  	v1 =	vld.idx.msk [tilespmem:v2+s4+$0x0], $0xffff;
	_ =	sdelay $0x3  }
0x3d: {  	s20 =	simm.s32 $0x100;
	s19 =	simm.s32 $0x800  }
.LBB2_3:
0x3e: {  	p0 =	sne.s32 s19, $0x7C00;
	v2 =	vld [tilespmem:s20+$0x18700];
	[tilespmem:s18+$0x1C7E0] =	vst v1  }
0x3f: {  	v0 =	vld.idx.msk [tilespmem:v0+s4+$0x0], $0xffff;
	_ =	sdelay $0x5  }
0x40: {  	v1 =	vld [tilespmem:s20+$0x18710];
	[tilespmem:s18+$0x1C7F0] =	vst v0;
	s18 =	smov.u32 s20  }
0x41: {  	v0 =	vld.idx.msk [tilespmem:v2+s4+$0x0], $0xffff;
	_ =	sdelay $0x5  }
0x42: {  	[tilespmem:s18+$0x1C700] =	vst v0;
	v0 =	vld [tilespmem:s18+$0x18720]  }
0x43: {  	v1 =	vld.idx.msk [tilespmem:v1+s4+$0x0], $0xffff;
	_ =	sdelay $0x5  }
0x44: {  	[tilespmem:s18+$0x1C710] =	vst v1;
	v1 =	vld [tilespmem:s18+$0x18730]  }
0x45: {  	v0 =	vld.idx.msk [tilespmem:v0+s4+$0x0], $0xffff;
	_ =	sdelay $0x5  }
0x46: {  	[tilespmem:s18+$0x1C720] =	vst v0;
	v0 =	vld [tilespmem:s18+$0x18740]  }
0x47: {  	v1 =	vld.idx.msk [tilespmem:v1+s4+$0x0], $0xffff;
	_ =	sdelay $0x5  }
0x48: {  	[tilespmem:s18+$0x1C730] =	vst v1;
	v1 =	vld [tilespmem:s18+$0x18750]  }
0x49: {  	v0 =	vld.idx.msk [tilespmem:v0+s4+$0x0], $0xffff;
	_ =	sdelay $0x5  }
0x4a: {  	[tilespmem:s18+$0x1C740] =	vst v0;
	v0 =	vld [tilespmem:s18+$0x18760]  }
0x4b: {  	v1 =	vld.idx.msk [tilespmem:v1+s4+$0x0], $0xffff;
	_ =	sdelay $0x5  }
0x4c: {  	[tilespmem:s18+$0x1C750] =	vst v1;
	v1 =	vld [tilespmem:s18+$0x18770]  }
0x4d: {  	v0 =	vld.idx.msk [tilespmem:v0+s4+$0x0], $0xffff;
	_ =	sdelay $0x5  }
0x4e: {  	[tilespmem:s18+$0x1C760] =	vst v0;
	v0 =	vld [tilespmem:s18+$0x18780]  }
0x4f: {  	v1 =	vld.idx.msk [tilespmem:v1+s4+$0x0], $0xffff;
	_ =	sdelay $0x5  }
0x50: {  	[tilespmem:s18+$0x1C770] =	vst v1;
	v1 =	vld [tilespmem:s18+$0x18790]  }
0x51: {  	v0 =	vld.idx.msk [tilespmem:v0+s4+$0x0], $0xffff;
	_ =	sdelay $0x5  }
0x52: {  	[tilespmem:s18+$0x1C780] =	vst v0;
	v0 =	vld [tilespmem:s18+$0x187A0]  }
0x53: {  	v1 =	vld.idx.msk [tilespmem:v1+s4+$0x0], $0xffff;
	_ =	sdelay $0x5  }
0x54: {  	[tilespmem:s18+$0x1C790] =	vst v1;
	v1 =	vld [tilespmem:s18+$0x187B0]  }
0x55: {  	v0 =	vld.idx.msk [tilespmem:v0+s4+$0x0], $0xffff;
	_ =	sdelay $0x5  }
0x56: {  	[tilespmem:s18+$0x1C7A0] =	vst v0;
	v0 =	vld [tilespmem:s18+$0x187C0]  }
0x57: {  	v1 =	vld.idx.msk [tilespmem:v1+s4+$0x0], $0xffff;
	_ =	sdelay $0x5  }
0x58: {  	[tilespmem:s18+$0x1C7B0] =	vst v1;
	v1 =	vld [tilespmem:s18+$0x187D0]  }
0x59: {  	v0 =	vld.idx.msk [tilespmem:v0+s4+$0x0], $0xffff;
	_ =	sdelay $0x5  }
0x5a: {  	[tilespmem:s18+$0x1C7C0] =	vst v0;
	v2 =	vld [tilespmem:s18+$0x187E0]  }
0x5b: {  	v0 =	vld.idx.msk [tilespmem:v1+s4+$0x0], $0xffff;
	_ =	sdelay $0x5  }
0x5c: {  	[tilespmem:s18+$0x1C7D0] =	vst v0;
	v0 =	vld [tilespmem:s18+$0x187F0]  }
0x5d: {  	v1 =	vld.idx.msk [tilespmem:v2+s4+$0x0], $0xffff  }
.Ltmp0:
0x5e: {  	(pc) =	sbr.rel @p0 .LBB2_3-.Ltmp0, $2  }
0x5f: {  	_ =	sdelay $0x2  }
0x60: {  	s20 =	sshra.s32 s19, $0x2;
	s19 =	sadd.s32 $0x400, s19  }
0x61: {  	_ =	sdelay $0x1  }
0x62: {  	v2 =	vld [tilespmem:s20+$0x18700]  }
0x63: {  	[tilespmem:s18+$0x1C7E0] =	vst v1  }
0x64: {  	v0 =	vld.idx.msk [tilespmem:v0+s4+$0x0], $0xffff;
	_ =	sdelay $0x3  }
0x65: {  	v1 =	vld [tilespmem:s20+$0x18710]  }
0x66: {  	[tilespmem:s18+$0x1C7F0] =	vst v0  }
0x67: {  	v0 =	vld.idx.msk [tilespmem:v2+s4+$0x0], $0xffff;
	_ =	sdelay $0x4  }
0x68: {  	[tilespmem:s20+$0x1C700] =	vst v0;
	v0 =	vld [tilespmem:s20+$0x18720]  }
0x69: {  	v1 =	vld.idx.msk [tilespmem:v1+s4+$0x0], $0xffff;
	_ =	sdelay $0x4  }
0x6a: {  	[tilespmem:s20+$0x1C710] =	vst v1;
	v1 =	vld [tilespmem:s20+$0x18730];
	_ =	sdelay $0x1  }
0x6b: {  	v0 =	vld.idx.msk [tilespmem:v0+s4+$0x0], $0xffff;
	_ =	sdelay $0x4  }
0x6c: {  	[tilespmem:s20+$0x1C720] =	vst v0;
	v0 =	vld [tilespmem:s20+$0x18740]  }
0x6d: {  	v1 =	vld.idx.msk [tilespmem:v1+s4+$0x0], $0xffff;
	_ =	sdelay $0x4  }
0x6e: {  	[tilespmem:s20+$0x1C730] =	vst v1;
	v1 =	vld [tilespmem:s20+$0x18750];
	_ =	sdelay $0x1  }
0x6f: {  	v0 =	vld.idx.msk [tilespmem:v0+s4+$0x0], $0xffff;
	_ =	sdelay $0x4  }
0x70: {  	[tilespmem:s20+$0x1C740] =	vst v0;
	v0 =	vld [tilespmem:s20+$0x18760]  }
0x71: {  	v1 =	vld.idx.msk [tilespmem:v1+s4+$0x0], $0xffff;
	_ =	sdelay $0x4  }
0x72: {  	[tilespmem:s20+$0x1C750] =	vst v1;
	v1 =	vld [tilespmem:s20+$0x18770];
	_ =	sdelay $0x1  }
0x73: {  	v0 =	vld.idx.msk [tilespmem:v0+s4+$0x0], $0xffff;
	_ =	sdelay $0x4  }
0x74: {  	[tilespmem:s20+$0x1C760] =	vst v0;
	v0 =	vld [tilespmem:s20+$0x18780]  }
0x75: {  	v1 =	vld.idx.msk [tilespmem:v1+s4+$0x0], $0xffff;
	_ =	sdelay $0x4  }
0x76: {  	[tilespmem:s20+$0x1C770] =	vst v1;
	v1 =	vld [tilespmem:s20+$0x18790];
	_ =	sdelay $0x1  }
0x77: {  	v0 =	vld.idx.msk [tilespmem:v0+s4+$0x0], $0xffff;
	_ =	sdelay $0x4  }
0x78: {  	[tilespmem:s20+$0x1C780] =	vst v0;
	v0 =	vld [tilespmem:s20+$0x187A0]  }
0x79: {  	v1 =	vld.idx.msk [tilespmem:v1+s4+$0x0], $0xffff;
	_ =	sdelay $0x4  }
0x7a: {  	[tilespmem:s20+$0x1C790] =	vst v1;
	v1 =	vld [tilespmem:s20+$0x187B0];
	_ =	sdelay $0x1  }
0x7b: {  	v0 =	vld.idx.msk [tilespmem:v0+s4+$0x0], $0xffff;
	_ =	sdelay $0x4  }
0x7c: {  	[tilespmem:s20+$0x1C7A0] =	vst v0;
	v0 =	vld [tilespmem:s20+$0x187C0]  }
0x7d: {  	v1 =	vld.idx.msk [tilespmem:v1+s4+$0x0], $0xffff;
	_ =	sdelay $0x4  }
0x7e: {  	[tilespmem:s20+$0x1C7B0] =	vst v1;
	v1 =	vld [tilespmem:s20+$0x187D0];
	_ =	sdelay $0x1  }
0x7f: {  	v0 =	vld.idx.msk [tilespmem:v0+s4+$0x0], $0xffff;
	_ =	sdelay $0x4  }
0x80: {  	[tilespmem:s20+$0x1C7C0] =	vst v0;
	v0 =	vld [tilespmem:s20+$0x187E0]  }
0x81: {  	v1 =	vld.idx.msk [tilespmem:v1+s4+$0x0], $0xffff;
	_ =	sdelay $0x4  }
0x82: {  	[tilespmem:s20+$0x1C7D0] =	vst v1;
	v1 =	vld [tilespmem:s20+$0x187F0];
	_ =	sdelay $0x1  }
0x83: {  	v0 =	vld.idx.msk [tilespmem:v0+s4+$0x0], $0xffff;
	_ =	sdelay $0x4  }
0x84: {  	[tilespmem:s20+$0x1C7E0] =	vst v0  }
0x85: {  	v0 =	vld.idx.msk [tilespmem:v1+s4+$0x0], $0xffff;
	_ =	sdelay $0x1  }
0x86: {  	s16 =	sshll.u32 s16, $0x11  }
0x87: {  	s16 =	sor.u32 s17, s16  }
0x88: {  	s16 =	sshrl.u32 s16, $0x3  }
0x89: {  	s16 =	sadd.s32 s5, s16;
	[tilespmem:s20+$0x1C7F0] =	vst v0  }
0x8a: {  	[hbm4b:s16+s8] =	stream.strided.scatter [tilespmem:s12], [sflag:$0x2], $0x2000, s9, s8, $0x38;
	[tilespmem:$0x1E700] =	vst v63  }
0x8b: {  	_ =	swait.ge [sflag:s13], $0x2000  }
0x8c: {  	[sflag:s13] =	ssyncset.done $0x0  }
0x8d: {  	s17 =	simm.s32 $0x0;
	[sflag:s13] =	ssyncadd.s32 $0xFFFFE000  }
0x8e: {  	v0 =	vld [tilespmem:s17+$0x1A700];
	_ =	sdelay $0x5  }
0x8f: {  	v1 =	vld [tilespmem:s17+$0x1A710];
	_ =	sdelay $0x1  }
0x90: {  	v0 =	vld.idx.msk [tilespmem:v0+s4+$0x0], $0xffff;
	_ =	sdelay $0x4  }
0x91: {  	[tilespmem:s17+$0x1C700] =	vst v0;
	v0 =	vld [tilespmem:s17+$0x1A720]  }
0x92: {  	v1 =	vld.idx.msk [tilespmem:v1+s4+$0x0], $0xffff;
	_ =	sdelay $0x4  }
0x93: {  	[tilespmem:s17+$0x1C710] =	vst v1;
	v1 =	vld [tilespmem:s17+$0x1A730];
	_ =	sdelay $0x1  }
0x94: {  	v0 =	vld.idx.msk [tilespmem:v0+s4+$0x0], $0xffff;
	_ =	sdelay $0x4  }
0x95: {  	[tilespmem:s17+$0x1C720] =	vst v0;
	v0 =	vld [tilespmem:s17+$0x1A740]  }
0x96: {  	v1 =	vld.idx.msk [tilespmem:v1+s4+$0x0], $0xffff;
	_ =	sdelay $0x4  }
0x97: {  	[tilespmem:s17+$0x1C730] =	vst v1;
	v1 =	vld [tilespmem:s17+$0x1A750];
	_ =	sdelay $0x1  }
0x98: {  	v0 =	vld.idx.msk [tilespmem:v0+s4+$0x0], $0xffff;
	_ =	sdelay $0x4  }
0x99: {  	[tilespmem:s17+$0x1C740] =	vst v0;
	v0 =	vld [tilespmem:s17+$0x1A760]  }
0x9a: {  	v1 =	vld.idx.msk [tilespmem:v1+s4+$0x0], $0xffff;
	_ =	sdelay $0x4  }
0x9b: {  	[tilespmem:s17+$0x1C750] =	vst v1;
	v1 =	vld [tilespmem:s17+$0x1A770];
	_ =	sdelay $0x1  }
0x9c: {  	v0 =	vld.idx.msk [tilespmem:v0+s4+$0x0], $0xffff;
	_ =	sdelay $0x4  }
0x9d: {  	[tilespmem:s17+$0x1C760] =	vst v0;
	v0 =	vld [tilespmem:s17+$0x1A780]  }
0x9e: {  	v1 =	vld.idx.msk [tilespmem:v1+s4+$0x0], $0xffff;
	_ =	sdelay $0x4  }
0x9f: {  	[tilespmem:s17+$0x1C770] =	vst v1;
	v1 =	vld [tilespmem:s17+$0x1A790];
	_ =	sdelay $0x1  }
0xa0: {  	v0 =	vld.idx.msk [tilespmem:v0+s4+$0x0], $0xffff;
	_ =	sdelay $0x4  }
0xa1: {  	[tilespmem:s17+$0x1C780] =	vst v0;
	v0 =	vld [tilespmem:s17+$0x1A7A0]  }
0xa2: {  	v1 =	vld.idx.msk [tilespmem:v1+s4+$0x0], $0xffff;
	_ =	sdelay $0x4  }
0xa3: {  	[tilespmem:s17+$0x1C790] =	vst v1;
	v1 =	vld [tilespmem:s17+$0x1A7B0];
	_ =	sdelay $0x1  }
0xa4: {  	v0 =	vld.idx.msk [tilespmem:v0+s4+$0x0], $0xffff;
	_ =	sdelay $0x4  }
0xa5: {  	[tilespmem:s17+$0x1C7A0] =	vst v0;
	v0 =	vld [tilespmem:s17+$0x1A7C0]  }
0xa6: {  	v1 =	vld.idx.msk [tilespmem:v1+s4+$0x0], $0xffff;
	_ =	sdelay $0x4  }
0xa7: {  	[tilespmem:s17+$0x1C7B0] =	vst v1;
	v1 =	vld [tilespmem:s17+$0x1A7D0];
	_ =	sdelay $0x1  }
0xa8: {  	v0 =	vld.idx.msk [tilespmem:v0+s4+$0x0], $0xffff;
	_ =	sdelay $0x4  }
0xa9: {  	v2 =	vld [tilespmem:s17+$0x1A7E0];
	[tilespmem:s17+$0x1C7C0] =	vst v0  }
0xaa: {  	v0 =	vld.idx.msk [tilespmem:v1+s4+$0x0], $0xffff;
	_ =	sdelay $0x4  }
0xab: {  	[tilespmem:s17+$0x1C7D0] =	vst v0;
	v0 =	vld [tilespmem:s17+$0x1A7F0];
	_ =	sdelay $0x1  }
0xac: {  	v1 =	vld.idx.msk [tilespmem:v2+s4+$0x0], $0xffff;
	_ =	sdelay $0x3  }
0xad: {  	s19 =	simm.s32 $0x100;
	s18 =	simm.s32 $0x800  }
.LBB2_5:
0xae: {  	p0 =	sne.s32 s18, $0x7C00;
	v2 =	vld [tilespmem:s19+$0x1A700];
	[tilespmem:s17+$0x1C7E0] =	vst v1  }
0xaf: {  	v0 =	vld.idx.msk [tilespmem:v0+s4+$0x0], $0xffff;
	_ =	sdelay $0x5  }
0xb0: {  	v1 =	vld [tilespmem:s19+$0x1A710];
	[tilespmem:s17+$0x1C7F0] =	vst v0;
	s17 =	smov.u32 s19  }
0xb1: {  	v0 =	vld.idx.msk [tilespmem:v2+s4+$0x0], $0xffff;
	_ =	sdelay $0x5  }
0xb2: {  	[tilespmem:s17+$0x1C700] =	vst v0;
	v0 =	vld [tilespmem:s17+$0x1A720]  }
0xb3: {  	v1 =	vld.idx.msk [tilespmem:v1+s4+$0x0], $0xffff;
	_ =	sdelay $0x5  }
0xb4: {  	[tilespmem:s17+$0x1C710] =	vst v1;
	v1 =	vld [tilespmem:s17+$0x1A730]  }
0xb5: {  	v0 =	vld.idx.msk [tilespmem:v0+s4+$0x0], $0xffff;
	_ =	sdelay $0x5  }
0xb6: {  	[tilespmem:s17+$0x1C720] =	vst v0;
	v0 =	vld [tilespmem:s17+$0x1A740]  }
0xb7: {  	v1 =	vld.idx.msk [tilespmem:v1+s4+$0x0], $0xffff;
	_ =	sdelay $0x5  }
0xb8: {  	[tilespmem:s17+$0x1C730] =	vst v1;
	v1 =	vld [tilespmem:s17+$0x1A750]  }
0xb9: {  	v0 =	vld.idx.msk [tilespmem:v0+s4+$0x0], $0xffff;
	_ =	sdelay $0x5  }
0xba: {  	[tilespmem:s17+$0x1C740] =	vst v0;
	v0 =	vld [tilespmem:s17+$0x1A760]  }
0xbb: {  	v1 =	vld.idx.msk [tilespmem:v1+s4+$0x0], $0xffff;
	_ =	sdelay $0x5  }
0xbc: {  	[tilespmem:s17+$0x1C750] =	vst v1;
	v1 =	vld [tilespmem:s17+$0x1A770]  }
0xbd: {  	v0 =	vld.idx.msk [tilespmem:v0+s4+$0x0], $0xffff;
	_ =	sdelay $0x5  }
0xbe: {  	[tilespmem:s17+$0x1C760] =	vst v0;
	v0 =	vld [tilespmem:s17+$0x1A780]  }
0xbf: {  	v1 =	vld.idx.msk [tilespmem:v1+s4+$0x0], $0xffff;
	_ =	sdelay $0x5  }
0xc0: {  	[tilespmem:s17+$0x1C770] =	vst v1;
	v1 =	vld [tilespmem:s17+$0x1A790]  }
0xc1: {  	v0 =	vld.idx.msk [tilespmem:v0+s4+$0x0], $0xffff;
	_ =	sdelay $0x5  }
0xc2: {  	[tilespmem:s17+$0x1C780] =	vst v0;
	v0 =	vld [tilespmem:s17+$0x1A7A0]  }
0xc3: {  	v1 =	vld.idx.msk [tilespmem:v1+s4+$0x0], $0xffff;
	_ =	sdelay $0x5  }
0xc4: {  	[tilespmem:s17+$0x1C790] =	vst v1;
	v1 =	vld [tilespmem:s17+$0x1A7B0]  }
0xc5: {  	v0 =	vld.idx.msk [tilespmem:v0+s4+$0x0], $0xffff;
	_ =	sdelay $0x5  }
0xc6: {  	[tilespmem:s17+$0x1C7A0] =	vst v0;
	v0 =	vld [tilespmem:s17+$0x1A7C0]  }
0xc7: {  	v1 =	vld.idx.msk [tilespmem:v1+s4+$0x0], $0xffff;
	_ =	sdelay $0x5  }
0xc8: {  	[tilespmem:s17+$0x1C7B0] =	vst v1;
	v1 =	vld [tilespmem:s17+$0x1A7D0]  }
0xc9: {  	v0 =	vld.idx.msk [tilespmem:v0+s4+$0x0], $0xffff;
	_ =	sdelay $0x5  }
0xca: {  	[tilespmem:s17+$0x1C7C0] =	vst v0;
	v2 =	vld [tilespmem:s17+$0x1A7E0]  }
0xcb: {  	v0 =	vld.idx.msk [tilespmem:v1+s4+$0x0], $0xffff;
	_ =	sdelay $0x5  }
0xcc: {  	[tilespmem:s17+$0x1C7D0] =	vst v0;
	v0 =	vld [tilespmem:s17+$0x1A7F0]  }
0xcd: {  	v1 =	vld.idx.msk [tilespmem:v2+s4+$0x0], $0xffff  }
.Ltmp1:
0xce: {  	(pc) =	sbr.rel @p0 .LBB2_5-.Ltmp1, $2  }
0xcf: {  	_ =	sdelay $0x2  }
0xd0: {  	s19 =	sshra.s32 s18, $0x2;
	s18 =	sadd.s32 $0x400, s18  }
0xd1: {  	_ =	sdelay $0x1  }
0xd2: {  	v2 =	vld [tilespmem:s19+$0x1A700]  }
0xd3: {  	[tilespmem:s17+$0x1C7E0] =	vst v1  }
0xd4: {  	v0 =	vld.idx.msk [tilespmem:v0+s4+$0x0], $0xffff;
	_ =	sdelay $0x3  }
0xd5: {  	v1 =	vld [tilespmem:s19+$0x1A710]  }
0xd6: {  	[tilespmem:s17+$0x1C7F0] =	vst v0  }
0xd7: {  	v0 =	vld.idx.msk [tilespmem:v2+s4+$0x0], $0xffff;
	_ =	sdelay $0x3  }
0xd8: {  	v50 =	vld [tilespmem:s19+$0x1A720]  }
0xd9: {  	[tilespmem:s19+$0x1C700] =	vst v0  }
0xda: {  	v1 =	vld.idx.msk [tilespmem:v1+s4+$0x0], $0xffff;
	_ =	sdelay $0x3  }
0xdb: {  	v51 =	vld [tilespmem:s19+$0x1A730]  }
0xdc: {  	[tilespmem:s19+$0x1C710] =	vst v1  }
0xdd: {  	v0 =	vld.idx.msk [tilespmem:v50+s4+$0x0], $0xffff;
	_ =	sdelay $0x3  }
0xde: {  	v52 =	vld [tilespmem:s19+$0x1A740]  }
0xdf: {  	[tilespmem:s19+$0x1C720] =	vst v0  }
0xe0: {  	v1 =	vld.idx.msk [tilespmem:v51+s4+$0x0], $0xffff;
	_ =	sdelay $0x3  }
0xe1: {  	v53 =	vld [tilespmem:s19+$0x1A750]  }
0xe2: {  	[tilespmem:s19+$0x1C730] =	vst v1  }
0xe3: {  	v0 =	vld.idx.msk [tilespmem:v52+s4+$0x0], $0xffff;
	_ =	sdelay $0x3  }
0xe4: {  	v54 =	vld [tilespmem:s19+$0x1A760]  }
0xe5: {  	[tilespmem:s19+$0x1C740] =	vst v0  }
0xe6: {  	v1 =	vld.idx.msk [tilespmem:v53+s4+$0x0], $0xffff;
	_ =	sdelay $0x3  }
0xe7: {  	v55 =	vld [tilespmem:s19+$0x1A770]  }
0xe8: {  	[tilespmem:s19+$0x1C750] =	vst v1  }
0xe9: {  	v0 =	vld.idx.msk [tilespmem:v54+s4+$0x0], $0xffff;
	_ =	sdelay $0x3  }
0xea: {  	v56 =	vld [tilespmem:s19+$0x1A780]  }
0xeb: {  	[tilespmem:s19+$0x1C760] =	vst v0  }
0xec: {  	v1 =	vld.idx.msk [tilespmem:v55+s4+$0x0], $0xffff;
	_ =	sdelay $0x3  }
0xed: {  	v57 =	vld [tilespmem:s19+$0x1A790]  }
0xee: {  	[tilespmem:s19+$0x1C770] =	vst v1  }
0xef: {  	v0 =	vld.idx.msk [tilespmem:v56+s4+$0x0], $0xffff;
	_ =	sdelay $0x3  }
0xf0: {  	v58 =	vld [tilespmem:s19+$0x1A7A0]  }
0xf1: {  	[tilespmem:s19+$0x1C780] =	vst v0  }
0xf2: {  	v1 =	vld.idx.msk [tilespmem:v57+s4+$0x0], $0xffff;
	_ =	sdelay $0x3  }
0xf3: {  	v59 =	vld [tilespmem:s19+$0x1A7B0]  }
0xf4: {  	[tilespmem:s19+$0x1C790] =	vst v1  }
0xf5: {  	v0 =	vld.idx.msk [tilespmem:v58+s4+$0x0], $0xffff;
	_ =	sdelay $0x3  }
0xf6: {  	v60 =	vld [tilespmem:s19+$0x1A7C0]  }
0xf7: {  	[tilespmem:s19+$0x1C7A0] =	vst v0  }
0xf8: {  	v1 =	vld.idx.msk [tilespmem:v59+s4+$0x0], $0xffff;
	_ =	sdelay $0x3  }
0xf9: {  	v61 =	vld [tilespmem:s19+$0x1A7D0]  }
0xfa: {  	[tilespmem:s19+$0x1C7B0] =	vst v1  }
0xfb: {  	v0 =	vld.idx.msk [tilespmem:v60+s4+$0x0], $0xffff;
	_ =	sdelay $0x3  }
0xfc: {  	v62 =	vld [tilespmem:s19+$0x1A7E0]  }
0xfd: {  	[tilespmem:s19+$0x1C7C0] =	vst v0  }
0xfe: {  	v1 =	vld.idx.msk [tilespmem:v61+s4+$0x0], $0xffff;
	_ =	sdelay $0x3  }
0xff: {  	v63 =	vld [tilespmem:s19+$0x1A7F0]  }
0x100: {  	[tilespmem:s19+$0x1C7D0] =	vst v1  }
0x101: {  	v0 =	vld.idx.msk [tilespmem:v62+s4+$0x0], $0xffff;
	_ =	sdelay $0x4  }
0x102: {  	[tilespmem:s19+$0x1C7E0] =	vst v0  }
0x103: {  	s15 =	sadd.s32 $0x1, s15;
	v0 =	vld.idx.msk [tilespmem:v63+s4+$0x0], $0xffff  }
0x104: {  	p0 =	sne.s32 s15, $0xD  }
.Ltmp2:
0x105: {  	_ = 	snop;
	(pc) =	sbr.rel @p0 .LBB2_2-.Ltmp2, $3  }
0x106: {  	_ =	sdelay $0x1  }
0x107: {  	s16 =	sadd.s32 $0x2000, s16;
	[tilespmem:s19+$0x1C7F0] =	vst v0  }
0x108: {  	[hbm4b:s16+s8] =	stream.strided.scatter [tilespmem:s12], [sflag:$0x2], $0x2000, s9, s8, $0x38;
	[tilespmem:$0x1E700] =	vst v63  }
0x109: {  	s14 =	sadd.s32 $0x1, s14  }
0x10a: {  	p0 =	sne.s32 s14, s7  }
.Ltmp3:
0x10b: {  	_ = 	snop;
	(pc) =	sbr.rel @p0 .LBB2_1-.Ltmp3, $4  }
0x10c: {  	_ = 	snop  }
0x10d: {  	_ =	swait.ge [sflag:s13], $0x2000  }
0x10e: {  	[sflag:s13] =	ssyncset.done $0x0  }
0x10f: {  	[sflag:s13] =	ssyncadd.s32 $0xFFFFE000  }
0x110: {  	_ =	sfence.sel $0x180000  }
0x111: {  	[bflag:$0x0] =	sbarrier.arrive $0xFFFF  }
0x112: {  	p0 =	sne.s32 s3, $0x0;
	_ =	strace $0x90000047  }
0x113: {  	s0 =	sadd.s32 @!p0 $0x100000, s0;
	[bflag:$0x2] =	sbarrier.arrive $0xFFFF  }
0x114: {  	[sflag:s0] =	ssyncadd.tile.s32 @!p0 $0x1;
	_ =	shalt  }
.Lfunc_end2:
_tile_overlayer_lowered:
.L_overlay_start_2:
0x115: {  	(tag) =	ssettag $0x2  }
0x116: {  	s0 =	rddreg [dreg:$0x0];
	s2 =	stileid.u32  }
0x117: {  	s1 =	rddreg [dreg:$0x1];
	p0 =	sne.s32 s2, $0x0  }
0x118: {  	s3 =	rddreg [dreg:$0x2];
	[bflag:$0x3] =	sbarrier.arrive $0xFFFF;
	s2 =	simm.s32 @!p0 $0x1C03  }
0x119: {  	[timem:s3], [sflag:s2] =	dma.local @!p0 [hbm:s0], s1  }
0x11a: {  	s0 =	simm.s32 @!p0 $0x3  }
0x11b: {  	_ =	swait.ge @!p0 [sflag:s0], s1  }
0x11c: {  	s1 =	ssub.s32 @!p0 $0x0, s1;
	[sflag:s0] =	ssyncset.done @!p0 $0x0  }
0x11d: {  	[sflag:s0] =	ssyncadd.s32 @!p0 s1  }
0x11e: {  	[bflag:$0x3] =	sbarrier.arrive $0xFFFF  }
0x11f: {  	_ =	shalt  }

</sc_bundles>
